<compile_context>
chip_gen: v7x
topology: tpu7x:2x2x1
jax: 0.10.2.dev20260603
libtpu: 0.0.44.dev20260713+nightly
codegen_flags: <defaults>
</compile_context>

<pallas_src>
import functools

import numpy as np
import jax
import jax.numpy as jnp
from jax import lax
from jax.experimental import pallas as pl
from jax.experimental.pallas import tpu as pltpu
from jax.experimental.pallas import tpu_sc as plsc

_LENS = (4096, 3584, 3072, 2560, 2048, 1536, 1024, 512)
_D = 256
_TOTAL = sum(_LENS)
_T = max(_LENS)
_NC = 2
_NS = 16
_NW = _NC * _NS
_CNTS = tuple(L // _NW for L in _LENS)
_ORDER = (7, 6, 5, 4, 3, 2, 1, 0)
_NSLOT = 5
_SLOT_ROWS = tuple(
    max(_CNTS[j] for j in _ORDER[b::_NSLOT]) for b in range(_NSLOT)
)
_BS_PER_W = _T // _NW


def _pack_body(*refs):
    xs = refs[0:8]
    out = refs[8]
    bs_out = refs[9]
    sort_out = refs[10]
    unsort_out = refs[11]
    bufs = refs[12 : 12 + _NSLOT]
    idxs = refs[12 + _NSLOT : 20 + _NSLOT]
    bs_v = refs[20 + _NSLOT]
    perm_v = refs[21 + _NSLOT]
    gsem = refs[22 + _NSLOT : 22 + 2 * _NSLOT]
    ssem = refs[22 + 2 * _NSLOT : 22 + 3 * _NSLOT]
    csem = refs[22 + 3 * _NSLOT]
    wid = lax.axis_index("s") * _NC + lax.axis_index("c")

    def gather(i):
        j = _ORDER[i]
        cnt = _CNTS[j]
        return pltpu.async_copy(
            xs[j].at[pl.ds(wid * cnt, cnt)],
            bufs[i % _NSLOT].at[pl.ds(0, cnt)],
            gsem[i % _NSLOT],
        )

    gh = [gather(0), gather(1)] + [None] * (_NSLOT - 2)
    sh = [None] * _NSLOT
    lane = lax.iota(jnp.int32, 16)

    bs_base = wid * _BS_PER_W

    def bs_chunk(c, carry):
        t = bs_base + (c * 16 + lane)
        bs_v[pl.ds(c * 16, 16)] = 8 - lax.shift_right_logical(t, 9)
        return carry

    lax.fori_loop(0, _BS_PER_W // 16, bs_chunk, 0, unroll=False)
    ch = [pltpu.async_copy(bs_v, bs_out.at[pl.ds(bs_base, _BS_PER_W)], csem)]
    perm_v[...] = lane

    @pl.when(wid == 0)
    def _():
        pltpu.sync_copy(perm_v.at[pl.ds(0, 8)], sort_out)
        pltpu.sync_copy(perm_v.at[pl.ds(0, 8)], unsort_out)

    for j in range(8):
        cnt = _CNTS[j]
        base = wid * cnt

        def chunk(c, carry, j=j, base=base):
            t = base + (c * 16 + lane)
            k = lax.shift_right_logical(t, 9)
            r = lax.bitwise_and(t, 511)
            dest = 256 * k * (17 - k) + r * (8 - k) + j
            idxs[j][pl.ds(c * 16, 16)] = dest
            return carry

        lax.fori_loop(0, cnt // 16, chunk, 0, unroll=False)

    for i in range(8):
        j = _ORDER[i]
        b = i % _NSLOT
        cnt = _CNTS[j]
        gh[b].wait()
        sh[b] = pltpu.async_copy(
            bufs[b].at[pl.ds(0, cnt)], out.at[idxs[j]], ssem[b]
        )
        if i + 2 < 8:
            if i >= 3:
                sh[(i - 3) % _NSLOT].wait()
            gh[(i + 2) % _NSLOT] = gather(i + 2)
    for i in range(3, 8):
        sh[i % _NSLOT].wait()
    for h in ch:
        h.wait()


_pack = functools.partial(
    pl.kernel,
    mesh=plsc.VectorSubcoreMesh(core_axis_name="c", subcore_axis_name="s"),
    out_type=(
        jax.ShapeDtypeStruct((_TOTAL, _D), jnp.float32),
        jax.ShapeDtypeStruct((_T,), jnp.int32),
        jax.ShapeDtypeStruct((8,), jnp.int32),
        jax.ShapeDtypeStruct((8,), jnp.int32),
    ),
    scratch_types=[pltpu.VMEM((r, _D), jnp.float32) for r in _SLOT_ROWS]
    + [pltpu.VMEM((c,), jnp.int32) for c in _CNTS]
    + [pltpu.VMEM((_BS_PER_W,), jnp.int32)]
    + [pltpu.VMEM((16,), jnp.int32)]
    + [pltpu.SemaphoreType.DMA for _ in range(_NSLOT)]
    + [pltpu.SemaphoreType.DMA for _ in range(_NSLOT)]
    + [pltpu.SemaphoreType.DMA],
)(_pack_body)


def kernel(x0, x1, x2, x3, x4, x5, x6, x7):
    xs = (x0, x1, x2, x3, x4, x5, x6, x7)
    data, bs, sort_idx, unsort_idx = _pack(*xs)
    return (
        data,
        bs.astype(jnp.int64),
        sort_idx.astype(jnp.int64),
        unsort_idx.astype(jnp.int64),
    )

# --- scband reference (transcript-rebuilt; emitter-appended) ---
"""Pipeline reference for scband-auto-pack-38646115729534 (READ-ONLY COPY).

The authoritative reference and input builder live on the scoring server;
editing this copy changes nothing except your own understanding.
"""

import jax, jax.numpy as jnp
import numpy as np

PAD_SYMBOL = 0.0
MAX_SEQUENCE_LENGTH = -1
SEQ_LENS = [4096, 3584, 3072, 2560, 2048, 1536, 1024, 512]
D = 256


def setup_inputs(seed: int = 0) -> dict:
    key = jax.random.key(seed)
    out = {}
    for i, L in enumerate(SEQ_LENS):
        key, k = jax.random.split(key)
        out[f"x{i}"] = jax.random.normal(k, (L, D), dtype=jnp.float32)
    return out


def reference(x0, x1, x2, x3, x4, x5, x6, x7):
    xs = [x0, x1, x2, x3, x4, x5, x6, x7]
    # --- pad (AutoPack.forward) ---
    lengths = np.array([t.shape[0] for t in xs], dtype=np.int64)
    max_seq_len = MAX_SEQUENCE_LENGTH if MAX_SEQUENCE_LENGTH > 0 else int(lengths.max())
    padded = []
    for t in xs:
        missing = max_seq_len - t.shape[0]
        if missing == 0:
            padded.append(t)
        else:
            padded.append(jnp.concatenate([t, jnp.full((missing, t.shape[1]), PAD_SYMBOL, dtype=t.dtype)], axis=0))
    inputs = jnp.stack(padded)  # [B, max_seq_len, D]
    # --- pack_padded_sequence(batch_first=True, enforce_sorted=False) ---
    sorted_indices = np.argsort(-lengths, kind="stable")  # descending, stable
    batch_sizes = np.array([int((lengths > t).sum()) for t in range(max_seq_len)], dtype=np.int64)
    pieces = []
    for t, bs in enumerate(batch_sizes):
        pieces.append(inputs[jnp.asarray(sorted_indices[:bs]), t, :])
    data = jnp.concatenate(pieces, axis=0)  # [sum(lengths), D]
    unsorted_indices = np.argsort(sorted_indices)
    return (data,
            jnp.asarray(batch_sizes, dtype=jnp.int64),
            jnp.asarray(sorted_indices, dtype=jnp.int64),
            jnp.asarray(unsorted_indices, dtype=jnp.int64))

if __name__ == "__main__":
    import jax
    _d = setup_inputs()
    print(jax.jit(kernel)(*tuple(_d.values())))

</pallas_src>

<mosaic_0001>
#map = affine_map<(d0, d1) -> (0, 0)>
#map1 = affine_map<(d0, d1) -> (0)>
module attributes {stable_mosaic.version = 14 : i64} {
  func.func @_pack_body(%arg0: i32, %arg1: i32, %arg2: memref<4096x256xf32, #tpu.memory_space<hbm>>, %arg3: memref<3584x256xf32, #tpu.memory_space<hbm>>, %arg4: memref<3072x256xf32, #tpu.memory_space<hbm>>, %arg5: memref<2560x256xf32, #tpu.memory_space<hbm>>, %arg6: memref<2048x256xf32, #tpu.memory_space<hbm>>, %arg7: memref<1536x256xf32, #tpu.memory_space<hbm>>, %arg8: memref<1024x256xf32, #tpu.memory_space<hbm>>, %arg9: memref<512x256xf32, #tpu.memory_space<hbm>>, %arg10: memref<18432x256xf32, #tpu.memory_space<hbm>>, %arg11: memref<4096xi32, #tpu.memory_space<hbm>>, %arg12: memref<8xi32, #tpu.memory_space<hbm>>, %arg13: memref<8xi32, #tpu.memory_space<hbm>>, %arg14: memref<96x256xf32, #tpu.memory_space<vmem>>, %arg15: memref<112x256xf32, #tpu.memory_space<vmem>>, %arg16: memref<128x256xf32, #tpu.memory_space<vmem>>, %arg17: memref<64x256xf32, #tpu.memory_space<vmem>>, %arg18: memref<80x256xf32, #tpu.memory_space<vmem>>, %arg19: memref<128xi32, #tpu.memory_space<vmem>>, %arg20: memref<112xi32, #tpu.memory_space<vmem>>, %arg21: memref<96xi32, #tpu.memory_space<vmem>>, %arg22: memref<80xi32, #tpu.memory_space<vmem>>, %arg23: memref<64xi32, #tpu.memory_space<vmem>>, %arg24: memref<48xi32, #tpu.memory_space<vmem>>, %arg25: memref<32xi32, #tpu.memory_space<vmem>>, %arg26: memref<16xi32, #tpu.memory_space<vmem>>, %arg27: memref<128xi32, #tpu.memory_space<vmem>>, %arg28: memref<16xi32, #tpu.memory_space<vmem>>, %arg29: memref<!tpu.dma_semaphore, #tpu.memory_space<semaphore_mem>>, %arg30: memref<!tpu.dma_semaphore, #tpu.memory_space<semaphore_mem>>, %arg31: memref<!tpu.dma_semaphore, #tpu.memory_space<semaphore_mem>>, %arg32: memref<!tpu.dma_semaphore, #tpu.memory_space<semaphore_mem>>, %arg33: memref<!tpu.dma_semaphore, #tpu.memory_space<semaphore_mem>>, %arg34: memref<!tpu.dma_semaphore, #tpu.memory_space<semaphore_mem>>, %arg35: memref<!tpu.dma_semaphore, #tpu.memory_space<semaphore_mem>>, %arg36: memref<!tpu.dma_semaphore, #tpu.memory_space<semaphore_mem>>, %arg37: memref<!tpu.dma_semaphore, #tpu.memory_space<semaphore_mem>>, %arg38: memref<!tpu.dma_semaphore, #tpu.memory_space<semaphore_mem>>, %arg39: memref<!tpu.dma_semaphore, #tpu.memory_space<semaphore_mem>>) attributes {dimension_semantics = [#tpu.dimension_semantics<core_parallel>, #tpu.dimension_semantics<subcore_parallel>], iteration_bounds = array<i64: 2, 16>, scalar_prefetch = 0 : i64, scratch_operands = 26 : i64, tpu.core_type = #tpu.core_type<sc_vector_subcore>, window_params = [{transform_indices = #map}, {transform_indices = #map}, {transform_indices = #map}, {transform_indices = #map}, {transform_indices = #map}, {transform_indices = #map}, {transform_indices = #map}, {transform_indices = #map}, {transform_indices = #map}, {transform_indices = #map1}, {transform_indices = #map1}, {transform_indices = #map1}]} {
    %mul3A = arith.constant 2 : i32
    %mul3A_0 = arith.muli %arg1, %mul3A : i32
    %add3A = arith.addi %mul3A_0, %arg0 : i32
    %mul3A_1 = arith.constant 16 : i32
    %mul3A_2 = arith.muli %add3A, %mul3A_1 : i32
    %dma_start3A = arith.constant 0 : i32
    %dma_start3A_3 = arith.constant 0 : i32
    %dma_start3A_4 = tpu.memref_slice %arg14[%dma_start3A, %dma_start3A_3] : memref<96x256xf32, #tpu.memory_space<vmem>> -> memref<16x256xf32, #tpu.memory_space<vmem>>
    %dma_start3A_5 = arith.constant 0 : i32
    %dma_start3A_6 = tpu.memref_slice %arg9[%mul3A_2, %dma_start3A_5] : memref<512x256xf32, #tpu.memory_space<hbm>> -> memref<16x256xf32, #tpu.memory_space<hbm>>
    %dma_start3A_7 = arith.constant 0 : i32
    %dma_start3A_8 = arith.constant 0 : i32
    %dma_start3A_9 = tpu.memref_slice %arg14[%dma_start3A_7, %dma_start3A_8] : memref<96x256xf32, #tpu.memory_space<vmem>> -> memref<16x256xf32, #tpu.memory_space<vmem>>
    %dma_start3A_10 = arith.constant 0 : i32
    %dma_start3A_11 = tpu.memref_slice %arg9[%mul3A_2, %dma_start3A_10] : memref<512x256xf32, #tpu.memory_space<hbm>> -> memref<16x256xf32, #tpu.memory_space<hbm>>
    tpu.enqueue_dma source(%dma_start3A_11 : memref<16x256xf32, #tpu.memory_space<hbm>>) target(%dma_start3A_9 : memref<16x256xf32, #tpu.memory_space<vmem>>) target_semaphore(%arg29 : memref<!tpu.dma_semaphore, #tpu.memory_space<semaphore_mem>>)
    %mul3A_12 = arith.constant 32 : i32
    %mul3A_13 = arith.muli %add3A, %mul3A_12 : i32
    %dma_start3A_14 = arith.constant 0 : i32
    %dma_start3A_15 = arith.constant 0 : i32
    %dma_start3A_16 = tpu.memref_slice %arg15[%dma_start3A_14, %dma_start3A_15] : memref<112x256xf32, #tpu.memory_space<vmem>> -> memref<32x256xf32, #tpu.memory_space<vmem>>
    %dma_start3A_17 = arith.constant 0 : i32
    %dma_start3A_18 = tpu.memref_slice %arg8[%mul3A_13, %dma_start3A_17] : memref<1024x256xf32, #tpu.memory_space<hbm>> -> memref<32x256xf32, #tpu.memory_space<hbm>>
    %dma_start3A_19 = arith.constant 0 : i32
    %dma_start3A_20 = arith.constant 0 : i32
    %dma_start3A_21 = tpu.memref_slice %arg15[%dma_start3A_19, %dma_start3A_20] : memref<112x256xf32, #tpu.memory_space<vmem>> -> memref<32x256xf32, #tpu.memory_space<vmem>>
    %dma_start3A_22 = arith.constant 0 : i32
    %dma_start3A_23 = tpu.memref_slice %arg8[%mul3A_13, %dma_start3A_22] : memref<1024x256xf32, #tpu.memory_space<hbm>> -> memref<32x256xf32, #tpu.memory_space<hbm>>
    tpu.enqueue_dma source(%dma_start3A_23 : memref<32x256xf32, #tpu.memory_space<hbm>>) target(%dma_start3A_21 : memref<32x256xf32, #tpu.memory_space<vmem>>) target_semaphore(%arg30 : memref<!tpu.dma_semaphore, #tpu.memory_space<semaphore_mem>>)
    %iota3A = tpu.iota {dimensions = array<i32: 0>} : vector<16xi32>
    %mul3A_24 = arith.constant 128 : i32
    %mul3A_25 = arith.muli %add3A, %mul3A_24 : i32
    %scan3A = arith.constant 0 : i32
    %scan3A_26 = arith.constant 0 : i32
    %scan3A_27 = arith.constant 8 : i32
    %scan3A_28 = arith.addi %scan3A_26, %scan3A_27 : i32
    %scan3A_29 = arith.constant 1 : i32
    scf.for %scan3A_378 = %scan3A_26 to %scan3A_28 step %scan3A_29  : i32 {
      %mul3A_379 = arith.constant 16 : i32
      %mul3A_380 = arith.muli %scan3A_378, %mul3A_379 : i32
      %add3A_381 = vector.broadcast %mul3A_380 : i32 to vector<16xi32>
      %add3A_382 = arith.addi %add3A_381, %iota3A : vector<16xi32>
      %add3A_383 = vector.broadcast %mul3A_25 : i32 to vector<16xi32>
      %add3A_384 = arith.addi %add3A_383, %add3A_382 : vector<16xi32>
      %shift_right_logical3A_385 = arith.constant 9 : i32
      %shift_right_logical3A_386 = vector.broadcast %shift_right_logical3A_385 : i32 to vector<16xi32>
      %shift_right_logical3A_387 = arith.shrui %add3A_384, %shift_right_logical3A_386 : vector<16xi32>
      %sub3A_388 = arith.constant 8 : i32
      %sub3A_389 = vector.broadcast %sub3A_388 : i32 to vector<16xi32>
      %sub3A_390 = arith.subi %sub3A_389, %shift_right_logical3A_387 : vector<16xi32>
      %mul3A_391 = arith.constant 16 : i32
      %mul3A_392 = arith.muli %scan3A_378, %mul3A_391 : i32
      %swap3A_393 = arith.index_cast %mul3A_392 : i32 to index
      %swap3A_394 = tpu.vector_load %arg27[%swap3A_393] {strides = array<i32>} : memref<128xi32, #tpu.memory_space<vmem>>, vector<16xi32>,
      %swap3A_395 = vector.shape_cast %swap3A_394 : vector<16xi32> to vector<16xi32>
      %swap3A_396 = vector.shape_cast %sub3A_390 : vector<16xi32> to vector<16xi32>
      tpu.vector_store %arg27[%swap3A_393], %swap3A_396 {strides = array<i32>} : memref<128xi32, #tpu.memory_space<vmem>>, vector<16xi32>,
    }
    %scan3A_30 = arith.constant 8 : i32
    %dma_start3A_31 = tpu.memref_slice %arg11[%mul3A_25] : memref<4096xi32, #tpu.memory_space<hbm>> -> memref<128xi32, #tpu.memory_space<hbm>>
    %dma_start3A_32 = tpu.memref_slice %arg11[%mul3A_25] : memref<4096xi32, #tpu.memory_space<hbm>> -> memref<128xi32, #tpu.memory_space<hbm>>
    tpu.enqueue_dma source(%arg27 : memref<128xi32, #tpu.memory_space<vmem>>) target(%dma_start3A_32 : memref<128xi32, #tpu.memory_space<hbm>>) target_semaphore(%arg39 : memref<!tpu.dma_semaphore, #tpu.memory_space<semaphore_mem>>)
    %swap3A = arith.constant 0 : index
    %swap3A_33 = tpu.vector_load %arg28[%swap3A] {strides = array<i32>} : memref<16xi32, #tpu.memory_space<vmem>>, vector<16xi32>,
    %swap3A_34 = vector.shape_cast %swap3A_33 : vector<16xi32> to vector<16xi32>
    %swap3A_35 = vector.shape_cast %iota3A : vector<16xi32> to vector<16xi32>
    tpu.vector_store %arg28[%swap3A], %swap3A_35 {strides = array<i32>} : memref<16xi32, #tpu.memory_space<vmem>>, vector<16xi32>,
    %eq3A = arith.constant 0 : i32
    %eq3A_36 = arith.cmpi eq, %add3A, %eq3A : i32
    %convert_element_type3A = arith.extui %eq3A_36 : i1 to i32
    %cond3A = arith.constant 0 : i32
    %cond3A_37 = arith.cmpi ne, %convert_element_type3A, %cond3A : i32
    scf.if %cond3A_37 {
      "tpu.region"() ({
        %run_scoped3A = tpu.sem_alloc : memref<!tpu.dma_semaphore, #tpu.memory_space<semaphore_mem>>
        %dma_start3A_378 = arith.constant 0 : i32
        %dma_start3A_379 = tpu.memref_slice %arg28[%dma_start3A_378] : memref<16xi32, #tpu.memory_space<vmem>> -> memref<8xi32, #tpu.memory_space<vmem>>
        %dma_start3A_380 = arith.constant 0 : i32
        %dma_start3A_381 = tpu.memref_slice %arg28[%dma_start3A_380] : memref<16xi32, #tpu.memory_space<vmem>> -> memref<8xi32, #tpu.memory_space<vmem>>
        tpu.enqueue_dma source(%dma_start3A_381 : memref<8xi32, #tpu.memory_space<vmem>>) target(%arg12 : memref<8xi32, #tpu.memory_space<hbm>>) target_semaphore(%run_scoped3A : memref<!tpu.dma_semaphore, #tpu.memory_space<semaphore_mem>>)
        %dma_wait3A_382 = arith.constant 0 : i32
        %dma_wait3A_383 = tpu.memref_slice %arg28[%dma_wait3A_382] : memref<16xi32, #tpu.memory_space<vmem>> -> memref<8xi32, #tpu.memory_space<vmem>>
        %dma_wait3A_384 = arith.constant 0 : i32
        %dma_wait3A_385 = tpu.memref_slice %arg28[%dma_wait3A_384] : memref<16xi32, #tpu.memory_space<vmem>> -> memref<8xi32, #tpu.memory_space<vmem>>
        tpu.wait_dma2 semaphore(%run_scoped3A : memref<!tpu.dma_semaphore, #tpu.memory_space<semaphore_mem>>) src(%dma_wait3A_385 : memref<8xi32, #tpu.memory_space<vmem>>) dst(%arg12 : memref<8xi32, #tpu.memory_space<hbm>>)
        tpu.yield
      }) : () -> ()
      "tpu.region"() ({
        %run_scoped3A = tpu.sem_alloc : memref<!tpu.dma_semaphore, #tpu.memory_space<semaphore_mem>>
        %dma_start3A_378 = arith.constant 0 : i32
        %dma_start3A_379 = tpu.memref_slice %arg28[%dma_start3A_378] : memref<16xi32, #tpu.memory_space<vmem>> -> memref<8xi32, #tpu.memory_space<vmem>>
        %dma_start3A_380 = arith.constant 0 : i32
        %dma_start3A_381 = tpu.memref_slice %arg28[%dma_start3A_380] : memref<16xi32, #tpu.memory_space<vmem>> -> memref<8xi32, #tpu.memory_space<vmem>>
        tpu.enqueue_dma source(%dma_start3A_381 : memref<8xi32, #tpu.memory_space<vmem>>) target(%arg13 : memref<8xi32, #tpu.memory_space<hbm>>) target_semaphore(%run_scoped3A : memref<!tpu.dma_semaphore, #tpu.memory_space<semaphore_mem>>)
        %dma_wait3A_382 = arith.constant 0 : i32
        %dma_wait3A_383 = tpu.memref_slice %arg28[%dma_wait3A_382] : memref<16xi32, #tpu.memory_space<vmem>> -> memref<8xi32, #tpu.memory_space<vmem>>
        %dma_wait3A_384 = arith.constant 0 : i32
        %dma_wait3A_385 = tpu.memref_slice %arg28[%dma_wait3A_384] : memref<16xi32, #tpu.memory_space<vmem>> -> memref<8xi32, #tpu.memory_space<vmem>>
        tpu.wait_dma2 semaphore(%run_scoped3A : memref<!tpu.dma_semaphore, #tpu.memory_space<semaphore_mem>>) src(%dma_wait3A_385 : memref<8xi32, #tpu.memory_space<vmem>>) dst(%arg13 : memref<8xi32, #tpu.memory_space<hbm>>)
        tpu.yield
      }) : () -> ()
    } else {
    }
    %mul3A_38 = arith.constant 128 : i32
    %mul3A_39 = arith.muli %add3A, %mul3A_38 : i32
    %scan3A_40 = arith.constant 0 : i32
    %scan3A_41 = arith.constant 0 : i32
    %scan3A_42 = arith.constant 8 : i32
    %scan3A_43 = arith.addi %scan3A_41, %scan3A_42 : i32
    %scan3A_44 = arith.constant 1 : i32
    scf.for %scan3A_378 = %scan3A_41 to %scan3A_43 step %scan3A_44  : i32 {
      %mul3A_379 = arith.constant 16 : i32
      %mul3A_380 = arith.muli %scan3A_378, %mul3A_379 : i32
      %add3A_381 = vector.broadcast %mul3A_380 : i32 to vector<16xi32>
      %add3A_382 = arith.addi %add3A_381, %iota3A : vector<16xi32>
      %add3A_383 = vector.broadcast %mul3A_39 : i32 to vector<16xi32>
      %add3A_384 = arith.addi %add3A_383, %add3A_382 : vector<16xi32>
      %shift_right_logical3A_385 = arith.constant 9 : i32
      %shift_right_logical3A_386 = vector.broadcast %shift_right_logical3A_385 : i32 to vector<16xi32>
      %shift_right_logical3A_387 = arith.shrui %add3A_384, %shift_right_logical3A_386 : vector<16xi32>
      %and3A_388 = arith.constant 511 : i32
      %and3A_389 = vector.broadcast %and3A_388 : i32 to vector<16xi32>
      %and3A_390 = arith.andi %add3A_384, %and3A_389 : vector<16xi32>
      %mul3A_391 = arith.constant 256 : i32
      %mul3A_392 = vector.broadcast %mul3A_391 : i32 to vector<16xi32>
      %mul3A_393 = arith.muli %mul3A_392, %shift_right_logical3A_387 : vector<16xi32>
      %sub3A_394 = arith.constant 17 : i32
      %sub3A_395 = vector.broadcast %sub3A_394 : i32 to vector<16xi32>
      %sub3A_396 = arith.subi %sub3A_395, %shift_right_logical3A_387 : vector<16xi32>
      %mul3A_397 = arith.muli %mul3A_393, %sub3A_396 : vector<16xi32>
      %sub3A_398 = arith.constant 8 : i32
      %sub3A_399 = vector.broadcast %sub3A_398 : i32 to vector<16xi32>
      %sub3A_400 = arith.subi %sub3A_399, %shift_right_logical3A_387 : vector<16xi32>
      %mul3A_401 = arith.muli %and3A_390, %sub3A_400 : vector<16xi32>
      %add3A_402 = arith.addi %mul3A_397, %mul3A_401 : vector<16xi32>
      %add3A_403 = arith.constant 0 : i32
      %add3A_404 = vector.broadcast %add3A_403 : i32 to vector<16xi32>
      %add3A_405 = arith.addi %add3A_402, %add3A_404 : vector<16xi32>
      %mul3A_406 = arith.constant 16 : i32
      %mul3A_407 = arith.muli %scan3A_378, %mul3A_406 : i32
      %swap3A_408 = arith.index_cast %mul3A_407 : i32 to index
      %swap3A_409 = tpu.vector_load %arg19[%swap3A_408] {strides = array<i32>} : memref<128xi32, #tpu.memory_space<vmem>>, vector<16xi32>,
      %swap3A_410 = vector.shape_cast %swap3A_409 : vector<16xi32> to vector<16xi32>
      %swap3A_411 = vector.shape_cast %add3A_405 : vector<16xi32> to vector<16xi32>
      tpu.vector_store %arg19[%swap3A_408], %swap3A_411 {strides = array<i32>} : memref<128xi32, #tpu.memory_space<vmem>>, vector<16xi32>,
    }
    %scan3A_45 = arith.constant 8 : i32
    %mul3A_46 = arith.constant 112 : i32
    %mul3A_47 = arith.muli %add3A, %mul3A_46 : i32
    %scan3A_48 = arith.constant 0 : i32
    %scan3A_49 = arith.constant 0 : i32
    %scan3A_50 = arith.constant 7 : i32
    %scan3A_51 = arith.addi %scan3A_49, %scan3A_50 : i32
    %scan3A_52 = arith.constant 1 : i32
    scf.for %scan3A_378 = %scan3A_49 to %scan3A_51 step %scan3A_52  : i32 {
      %mul3A_379 = arith.constant 16 : i32
      %mul3A_380 = arith.muli %scan3A_378, %mul3A_379 : i32
      %add3A_381 = vector.broadcast %mul3A_380 : i32 to vector<16xi32>
      %add3A_382 = arith.addi %add3A_381, %iota3A : vector<16xi32>
      %add3A_383 = vector.broadcast %mul3A_47 : i32 to vector<16xi32>
      %add3A_384 = arith.addi %add3A_383, %add3A_382 : vector<16xi32>
      %shift_right_logical3A_385 = arith.constant 9 : i32
      %shift_right_logical3A_386 = vector.broadcast %shift_right_logical3A_385 : i32 to vector<16xi32>
      %shift_right_logical3A_387 = arith.shrui %add3A_384, %shift_right_logical3A_386 : vector<16xi32>
      %and3A_388 = arith.constant 511 : i32
      %and3A_389 = vector.broadcast %and3A_388 : i32 to vector<16xi32>
      %and3A_390 = arith.andi %add3A_384, %and3A_389 : vector<16xi32>
      %mul3A_391 = arith.constant 256 : i32
      %mul3A_392 = vector.broadcast %mul3A_391 : i32 to vector<16xi32>
      %mul3A_393 = arith.muli %mul3A_392, %shift_right_logical3A_387 : vector<16xi32>
      %sub3A_394 = arith.constant 17 : i32
      %sub3A_395 = vector.broadcast %sub3A_394 : i32 to vector<16xi32>
      %sub3A_396 = arith.subi %sub3A_395, %shift_right_logical3A_387 : vector<16xi32>
      %mul3A_397 = arith.muli %mul3A_393, %sub3A_396 : vector<16xi32>
      %sub3A_398 = arith.constant 8 : i32
      %sub3A_399 = vector.broadcast %sub3A_398 : i32 to vector<16xi32>
      %sub3A_400 = arith.subi %sub3A_399, %shift_right_logical3A_387 : vector<16xi32>
      %mul3A_401 = arith.muli %and3A_390, %sub3A_400 : vector<16xi32>
      %add3A_402 = arith.addi %mul3A_397, %mul3A_401 : vector<16xi32>
      %add3A_403 = arith.constant 1 : i32
      %add3A_404 = vector.broadcast %add3A_403 : i32 to vector<16xi32>
      %add3A_405 = arith.addi %add3A_402, %add3A_404 : vector<16xi32>
      %mul3A_406 = arith.constant 16 : i32
      %mul3A_407 = arith.muli %scan3A_378, %mul3A_406 : i32
      %swap3A_408 = arith.index_cast %mul3A_407 : i32 to index
      %swap3A_409 = tpu.vector_load %arg20[%swap3A_408] {strides = array<i32>} : memref<112xi32, #tpu.memory_space<vmem>>, vector<16xi32>,
      %swap3A_410 = vector.shape_cast %swap3A_409 : vector<16xi32> to vector<16xi32>
      %swap3A_411 = vector.shape_cast %add3A_405 : vector<16xi32> to vector<16xi32>
      tpu.vector_store %arg20[%swap3A_408], %swap3A_411 {strides = array<i32>} : memref<112xi32, #tpu.memory_space<vmem>>, vector<16xi32>,
    }
    %scan3A_53 = arith.constant 7 : i32
    %mul3A_54 = arith.constant 96 : i32
    %mul3A_55 = arith.muli %add3A, %mul3A_54 : i32
    %scan3A_56 = arith.constant 0 : i32
    %scan3A_57 = arith.constant 0 : i32
    %scan3A_58 = arith.constant 6 : i32
    %scan3A_59 = arith.addi %scan3A_57, %scan3A_58 : i32
    %scan3A_60 = arith.constant 1 : i32
    scf.for %scan3A_378 = %scan3A_57 to %scan3A_59 step %scan3A_60  : i32 {
      %mul3A_379 = arith.constant 16 : i32
      %mul3A_380 = arith.muli %scan3A_378, %mul3A_379 : i32
      %add3A_381 = vector.broadcast %mul3A_380 : i32 to vector<16xi32>
      %add3A_382 = arith.addi %add3A_381, %iota3A : vector<16xi32>
      %add3A_383 = vector.broadcast %mul3A_55 : i32 to vector<16xi32>
      %add3A_384 = arith.addi %add3A_383, %add3A_382 : vector<16xi32>
      %shift_right_logical3A_385 = arith.constant 9 : i32
      %shift_right_logical3A_386 = vector.broadcast %shift_right_logical3A_385 : i32 to vector<16xi32>
      %shift_right_logical3A_387 = arith.shrui %add3A_384, %shift_right_logical3A_386 : vector<16xi32>
      %and3A_388 = arith.constant 511 : i32
      %and3A_389 = vector.broadcast %and3A_388 : i32 to vector<16xi32>
      %and3A_390 = arith.andi %add3A_384, %and3A_389 : vector<16xi32>
      %mul3A_391 = arith.constant 256 : i32
      %mul3A_392 = vector.broadcast %mul3A_391 : i32 to vector<16xi32>
      %mul3A_393 = arith.muli %mul3A_392, %shift_right_logical3A_387 : vector<16xi32>
      %sub3A_394 = arith.constant 17 : i32
      %sub3A_395 = vector.broadcast %sub3A_394 : i32 to vector<16xi32>
      %sub3A_396 = arith.subi %sub3A_395, %shift_right_logical3A_387 : vector<16xi32>
      %mul3A_397 = arith.muli %mul3A_393, %sub3A_396 : vector<16xi32>
      %sub3A_398 = arith.constant 8 : i32
      %sub3A_399 = vector.broadcast %sub3A_398 : i32 to vector<16xi32>
      %sub3A_400 = arith.subi %sub3A_399, %shift_right_logical3A_387 : vector<16xi32>
      %mul3A_401 = arith.muli %and3A_390, %sub3A_400 : vector<16xi32>
      %add3A_402 = arith.addi %mul3A_397, %mul3A_401 : vector<16xi32>
      %add3A_403 = arith.constant 2 : i32
      %add3A_404 = vector.broadcast %add3A_403 : i32 to vector<16xi32>
      %add3A_405 = arith.addi %add3A_402, %add3A_404 : vector<16xi32>
      %mul3A_406 = arith.constant 16 : i32
      %mul3A_407 = arith.muli %scan3A_378, %mul3A_406 : i32
      %swap3A_408 = arith.index_cast %mul3A_407 : i32 to index
      %swap3A_409 = tpu.vector_load %arg21[%swap3A_408] {strides = array<i32>} : memref<96xi32, #tpu.memory_space<vmem>>, vector<16xi32>,
      %swap3A_410 = vector.shape_cast %swap3A_409 : vector<16xi32> to vector<16xi32>
      %swap3A_411 = vector.shape_cast %add3A_405 : vector<16xi32> to vector<16xi32>
      tpu.vector_store %arg21[%swap3A_408], %swap3A_411 {strides = array<i32>} : memref<96xi32, #tpu.memory_space<vmem>>, vector<16xi32>,
    }
    %scan3A_61 = arith.constant 6 : i32
    %mul3A_62 = arith.constant 80 : i32
    %mul3A_63 = arith.muli %add3A, %mul3A_62 : i32
    %scan3A_64 = arith.constant 0 : i32
    %scan3A_65 = arith.constant 0 : i32
    %scan3A_66 = arith.constant 5 : i32
    %scan3A_67 = arith.addi %scan3A_65, %scan3A_66 : i32
    %scan3A_68 = arith.constant 1 : i32
    scf.for %scan3A_378 = %scan3A_65 to %scan3A_67 step %scan3A_68  : i32 {
      %mul3A_379 = arith.constant 16 : i32
      %mul3A_380 = arith.muli %scan3A_378, %mul3A_379 : i32
      %add3A_381 = vector.broadcast %mul3A_380 : i32 to vector<16xi32>
      %add3A_382 = arith.addi %add3A_381, %iota3A : vector<16xi32>
      %add3A_383 = vector.broadcast %mul3A_63 : i32 to vector<16xi32>
      %add3A_384 = arith.addi %add3A_383, %add3A_382 : vector<16xi32>
      %shift_right_logical3A_385 = arith.constant 9 : i32
      %shift_right_logical3A_386 = vector.broadcast %shift_right_logical3A_385 : i32 to vector<16xi32>
      %shift_right_logical3A_387 = arith.shrui %add3A_384, %shift_right_logical3A_386 : vector<16xi32>
      %and3A_388 = arith.constant 511 : i32
      %and3A_389 = vector.broadcast %and3A_388 : i32 to vector<16xi32>
      %and3A_390 = arith.andi %add3A_384, %and3A_389 : vector<16xi32>
      %mul3A_391 = arith.constant 256 : i32
      %mul3A_392 = vector.broadcast %mul3A_391 : i32 to vector<16xi32>
      %mul3A_393 = arith.muli %mul3A_392, %shift_right_logical3A_387 : vector<16xi32>
      %sub3A_394 = arith.constant 17 : i32
      %sub3A_395 = vector.broadcast %sub3A_394 : i32 to vector<16xi32>
      %sub3A_396 = arith.subi %sub3A_395, %shift_right_logical3A_387 : vector<16xi32>
      %mul3A_397 = arith.muli %mul3A_393, %sub3A_396 : vector<16xi32>
      %sub3A_398 = arith.constant 8 : i32
      %sub3A_399 = vector.broadcast %sub3A_398 : i32 to vector<16xi32>
      %sub3A_400 = arith.subi %sub3A_399, %shift_right_logical3A_387 : vector<16xi32>
      %mul3A_401 = arith.muli %and3A_390, %sub3A_400 : vector<16xi32>
      %add3A_402 = arith.addi %mul3A_397, %mul3A_401 : vector<16xi32>
      %add3A_403 = arith.constant 3 : i32
      %add3A_404 = vector.broadcast %add3A_403 : i32 to vector<16xi32>
      %add3A_405 = arith.addi %add3A_402, %add3A_404 : vector<16xi32>
      %mul3A_406 = arith.constant 16 : i32
      %mul3A_407 = arith.muli %scan3A_378, %mul3A_406 : i32
      %swap3A_408 = arith.index_cast %mul3A_407 : i32 to index
      %swap3A_409 = tpu.vector_load %arg22[%swap3A_408] {strides = array<i32>} : memref<80xi32, #tpu.memory_space<vmem>>, vector<16xi32>,
      %swap3A_410 = vector.shape_cast %swap3A_409 : vector<16xi32> to vector<16xi32>
      %swap3A_411 = vector.shape_cast %add3A_405 : vector<16xi32> to vector<16xi32>
      tpu.vector_store %arg22[%swap3A_408], %swap3A_411 {strides = array<i32>} : memref<80xi32, #tpu.memory_space<vmem>>, vector<16xi32>,
    }
    %scan3A_69 = arith.constant 5 : i32
    %mul3A_70 = arith.constant 64 : i32
    %mul3A_71 = arith.muli %add3A, %mul3A_70 : i32
    %scan3A_72 = arith.constant 0 : i32
    %scan3A_73 = arith.constant 0 : i32
    %scan3A_74 = arith.constant 4 : i32
    %scan3A_75 = arith.addi %scan3A_73, %scan3A_74 : i32
    %scan3A_76 = arith.constant 1 : i32
    scf.for %scan3A_378 = %scan3A_73 to %scan3A_75 step %scan3A_76  : i32 {
      %mul3A_379 = arith.constant 16 : i32
      %mul3A_380 = arith.muli %scan3A_378, %mul3A_379 : i32
      %add3A_381 = vector.broadcast %mul3A_380 : i32 to vector<16xi32>
      %add3A_382 = arith.addi %add3A_381, %iota3A : vector<16xi32>
      %add3A_383 = vector.broadcast %mul3A_71 : i32 to vector<16xi32>
      %add3A_384 = arith.addi %add3A_383, %add3A_382 : vector<16xi32>
      %shift_right_logical3A_385 = arith.constant 9 : i32
      %shift_right_logical3A_386 = vector.broadcast %shift_right_logical3A_385 : i32 to vector<16xi32>
      %shift_right_logical3A_387 = arith.shrui %add3A_384, %shift_right_logical3A_386 : vector<16xi32>
      %and3A_388 = arith.constant 511 : i32
      %and3A_389 = vector.broadcast %and3A_388 : i32 to vector<16xi32>
      %and3A_390 = arith.andi %add3A_384, %and3A_389 : vector<16xi32>
      %mul3A_391 = arith.constant 256 : i32
      %mul3A_392 = vector.broadcast %mul3A_391 : i32 to vector<16xi32>
      %mul3A_393 = arith.muli %mul3A_392, %shift_right_logical3A_387 : vector<16xi32>
      %sub3A_394 = arith.constant 17 : i32
      %sub3A_395 = vector.broadcast %sub3A_394 : i32 to vector<16xi32>
      %sub3A_396 = arith.subi %sub3A_395, %shift_right_logical3A_387 : vector<16xi32>
      %mul3A_397 = arith.muli %mul3A_393, %sub3A_396 : vector<16xi32>
      %sub3A_398 = arith.constant 8 : i32
      %sub3A_399 = vector.broadcast %sub3A_398 : i32 to vector<16xi32>
      %sub3A_400 = arith.subi %sub3A_399, %shift_right_logical3A_387 : vector<16xi32>
      %mul3A_401 = arith.muli %and3A_390, %sub3A_400 : vector<16xi32>
      %add3A_402 = arith.addi %mul3A_397, %mul3A_401 : vector<16xi32>
      %add3A_403 = arith.constant 4 : i32
      %add3A_404 = vector.broadcast %add3A_403 : i32 to vector<16xi32>
      %add3A_405 = arith.addi %add3A_402, %add3A_404 : vector<16xi32>
      %mul3A_406 = arith.constant 16 : i32
      %mul3A_407 = arith.muli %scan3A_378, %mul3A_406 : i32
      %swap3A_408 = arith.index_cast %mul3A_407 : i32 to index
      %swap3A_409 = tpu.vector_load %arg23[%swap3A_408] {strides = array<i32>} : memref<64xi32, #tpu.memory_space<vmem>>, vector<16xi32>,
      %swap3A_410 = vector.shape_cast %swap3A_409 : vector<16xi32> to vector<16xi32>
      %swap3A_411 = vector.shape_cast %add3A_405 : vector<16xi32> to vector<16xi32>
      tpu.vector_store %arg23[%swap3A_408], %swap3A_411 {strides = array<i32>} : memref<64xi32, #tpu.memory_space<vmem>>, vector<16xi32>,
    }
    %scan3A_77 = arith.constant 4 : i32
    %mul3A_78 = arith.constant 48 : i32
    %mul3A_79 = arith.muli %add3A, %mul3A_78 : i32
    %scan3A_80 = arith.constant 0 : i32
    %scan3A_81 = arith.constant 0 : i32
    %scan3A_82 = arith.constant 3 : i32
    %scan3A_83 = arith.addi %scan3A_81, %scan3A_82 : i32
    %scan3A_84 = arith.constant 1 : i32
    scf.for %scan3A_378 = %scan3A_81 to %scan3A_83 step %scan3A_84  : i32 {
      %mul3A_379 = arith.constant 16 : i32
      %mul3A_380 = arith.muli %scan3A_378, %mul3A_379 : i32
      %add3A_381 = vector.broadcast %mul3A_380 : i32 to vector<16xi32>
      %add3A_382 = arith.addi %add3A_381, %iota3A : vector<16xi32>
      %add3A_383 = vector.broadcast %mul3A_79 : i32 to vector<16xi32>
      %add3A_384 = arith.addi %add3A_383, %add3A_382 : vector<16xi32>
      %shift_right_logical3A_385 = arith.constant 9 : i32
      %shift_right_logical3A_386 = vector.broadcast %shift_right_logical3A_385 : i32 to vector<16xi32>
      %shift_right_logical3A_387 = arith.shrui %add3A_384, %shift_right_logical3A_386 : vector<16xi32>
      %and3A_388 = arith.constant 511 : i32
      %and3A_389 = vector.broadcast %and3A_388 : i32 to vector<16xi32>
      %and3A_390 = arith.andi %add3A_384, %and3A_389 : vector<16xi32>
      %mul3A_391 = arith.constant 256 : i32
      %mul3A_392 = vector.broadcast %mul3A_391 : i32 to vector<16xi32>
      %mul3A_393 = arith.muli %mul3A_392, %shift_right_logical3A_387 : vector<16xi32>
      %sub3A_394 = arith.constant 17 : i32
      %sub3A_395 = vector.broadcast %sub3A_394 : i32 to vector<16xi32>
      %sub3A_396 = arith.subi %sub3A_395, %shift_right_logical3A_387 : vector<16xi32>
      %mul3A_397 = arith.muli %mul3A_393, %sub3A_396 : vector<16xi32>
      %sub3A_398 = arith.constant 8 : i32
      %sub3A_399 = vector.broadcast %sub3A_398 : i32 to vector<16xi32>
      %sub3A_400 = arith.subi %sub3A_399, %shift_right_logical3A_387 : vector<16xi32>
      %mul3A_401 = arith.muli %and3A_390, %sub3A_400 : vector<16xi32>
      %add3A_402 = arith.addi %mul3A_397, %mul3A_401 : vector<16xi32>
      %add3A_403 = arith.constant 5 : i32
      %add3A_404 = vector.broadcast %add3A_403 : i32 to vector<16xi32>
      %add3A_405 = arith.addi %add3A_402, %add3A_404 : vector<16xi32>
      %mul3A_406 = arith.constant 16 : i32
      %mul3A_407 = arith.muli %scan3A_378, %mul3A_406 : i32
      %swap3A_408 = arith.index_cast %mul3A_407 : i32 to index
      %swap3A_409 = tpu.vector_load %arg24[%swap3A_408] {strides = array<i32>} : memref<48xi32, #tpu.memory_space<vmem>>, vector<16xi32>,
      %swap3A_410 = vector.shape_cast %swap3A_409 : vector<16xi32> to vector<16xi32>
      %swap3A_411 = vector.shape_cast %add3A_405 : vector<16xi32> to vector<16xi32>
      tpu.vector_store %arg24[%swap3A_408], %swap3A_411 {strides = array<i32>} : memref<48xi32, #tpu.memory_space<vmem>>, vector<16xi32>,
    }
    %scan3A_85 = arith.constant 3 : i32
    %mul3A_86 = arith.constant 32 : i32
    %mul3A_87 = arith.muli %add3A, %mul3A_86 : i32
    %scan3A_88 = arith.constant 0 : i32
    %scan3A_89 = arith.constant 0 : i32
    %scan3A_90 = arith.constant 2 : i32
    %scan3A_91 = arith.addi %scan3A_89, %scan3A_90 : i32
    %scan3A_92 = arith.constant 1 : i32
    scf.for %scan3A_378 = %scan3A_89 to %scan3A_91 step %scan3A_92  : i32 {
      %mul3A_379 = arith.constant 16 : i32
      %mul3A_380 = arith.muli %scan3A_378, %mul3A_379 : i32
      %add3A_381 = vector.broadcast %mul3A_380 : i32 to vector<16xi32>
      %add3A_382 = arith.addi %add3A_381, %iota3A : vector<16xi32>
      %add3A_383 = vector.broadcast %mul3A_87 : i32 to vector<16xi32>
      %add3A_384 = arith.addi %add3A_383, %add3A_382 : vector<16xi32>
      %shift_right_logical3A_385 = arith.constant 9 : i32
      %shift_right_logical3A_386 = vector.broadcast %shift_right_logical3A_385 : i32 to vector<16xi32>
      %shift_right_logical3A_387 = arith.shrui %add3A_384, %shift_right_logical3A_386 : vector<16xi32>
      %and3A_388 = arith.constant 511 : i32
      %and3A_389 = vector.broadcast %and3A_388 : i32 to vector<16xi32>
      %and3A_390 = arith.andi %add3A_384, %and3A_389 : vector<16xi32>
      %mul3A_391 = arith.constant 256 : i32
      %mul3A_392 = vector.broadcast %mul3A_391 : i32 to vector<16xi32>
      %mul3A_393 = arith.muli %mul3A_392, %shift_right_logical3A_387 : vector<16xi32>
      %sub3A_394 = arith.constant 17 : i32
      %sub3A_395 = vector.broadcast %sub3A_394 : i32 to vector<16xi32>
      %sub3A_396 = arith.subi %sub3A_395, %shift_right_logical3A_387 : vector<16xi32>
      %mul3A_397 = arith.muli %mul3A_393, %sub3A_396 : vector<16xi32>
      %sub3A_398 = arith.constant 8 : i32
      %sub3A_399 = vector.broadcast %sub3A_398 : i32 to vector<16xi32>
      %sub3A_400 = arith.subi %sub3A_399, %shift_right_logical3A_387 : vector<16xi32>
      %mul3A_401 = arith.muli %and3A_390, %sub3A_400 : vector<16xi32>
      %add3A_402 = arith.addi %mul3A_397, %mul3A_401 : vector<16xi32>
      %add3A_403 = arith.constant 6 : i32
      %add3A_404 = vector.broadcast %add3A_403 : i32 to vector<16xi32>
      %add3A_405 = arith.addi %add3A_402, %add3A_404 : vector<16xi32>
      %mul3A_406 = arith.constant 16 : i32
      %mul3A_407 = arith.muli %scan3A_378, %mul3A_406 : i32
      %swap3A_408 = arith.index_cast %mul3A_407 : i32 to index
      %swap3A_409 = tpu.vector_load %arg25[%swap3A_408] {strides = array<i32>} : memref<32xi32, #tpu.memory_space<vmem>>, vector<16xi32>,
      %swap3A_410 = vector.shape_cast %swap3A_409 : vector<16xi32> to vector<16xi32>
      %swap3A_411 = vector.shape_cast %add3A_405 : vector<16xi32> to vector<16xi32>
      tpu.vector_store %arg25[%swap3A_408], %swap3A_411 {strides = array<i32>} : memref<32xi32, #tpu.memory_space<vmem>>, vector<16xi32>,
    }
    %scan3A_93 = arith.constant 2 : i32
    %mul3A_94 = arith.constant 16 : i32
    %mul3A_95 = arith.muli %add3A, %mul3A_94 : i32
    %scan3A_96 = arith.constant 0 : i32
    %scan3A_97 = arith.constant 0 : i32
    %mul3A_98 = arith.constant 16 : i32
    %mul3A_99 = arith.muli %scan3A_97, %mul3A_98 : i32
    %add3A_100 = vector.broadcast %mul3A_99 : i32 to vector<16xi32>
    %add3A_101 = arith.addi %add3A_100, %iota3A : vector<16xi32>
    %add3A_102 = vector.broadcast %mul3A_95 : i32 to vector<16xi32>
    %add3A_103 = arith.addi %add3A_102, %add3A_101 : vector<16xi32>
    %shift_right_logical3A = arith.constant 9 : i32
    %shift_right_logical3A_104 = vector.broadcast %shift_right_logical3A : i32 to vector<16xi32>
    %shift_right_logical3A_105 = arith.shrui %add3A_103, %shift_right_logical3A_104 : vector<16xi32>
    %and3A = arith.constant 511 : i32
    %and3A_106 = vector.broadcast %and3A : i32 to vector<16xi32>
    %and3A_107 = arith.andi %add3A_103, %and3A_106 : vector<16xi32>
    %mul3A_108 = arith.constant 256 : i32
    %mul3A_109 = vector.broadcast %mul3A_108 : i32 to vector<16xi32>
    %mul3A_110 = arith.muli %mul3A_109, %shift_right_logical3A_105 : vector<16xi32>
    %sub3A = arith.constant 17 : i32
    %sub3A_111 = vector.broadcast %sub3A : i32 to vector<16xi32>
    %sub3A_112 = arith.subi %sub3A_111, %shift_right_logical3A_105 : vector<16xi32>
    %mul3A_113 = arith.muli %mul3A_110, %sub3A_112 : vector<16xi32>
    %sub3A_114 = arith.constant 8 : i32
    %sub3A_115 = vector.broadcast %sub3A_114 : i32 to vector<16xi32>
    %sub3A_116 = arith.subi %sub3A_115, %shift_right_logical3A_105 : vector<16xi32>
    %mul3A_117 = arith.muli %and3A_107, %sub3A_116 : vector<16xi32>
    %add3A_118 = arith.addi %mul3A_113, %mul3A_117 : vector<16xi32>
    %add3A_119 = arith.constant 7 : i32
    %add3A_120 = vector.broadcast %add3A_119 : i32 to vector<16xi32>
    %add3A_121 = arith.addi %add3A_118, %add3A_120 : vector<16xi32>
    %mul3A_122 = arith.constant 16 : i32
    %mul3A_123 = arith.muli %scan3A_97, %mul3A_122 : i32
    %swap3A_124 = arith.index_cast %mul3A_123 : i32 to index
    %swap3A_125 = tpu.vector_load %arg26[%swap3A_124] {strides = array<i32>} : memref<16xi32, #tpu.memory_space<vmem>>, vector<16xi32>,
    %swap3A_126 = vector.shape_cast %swap3A_125 : vector<16xi32> to vector<16xi32>
    %swap3A_127 = vector.shape_cast %add3A_121 : vector<16xi32> to vector<16xi32>
    tpu.vector_store %arg26[%swap3A_124], %swap3A_127 {strides = array<i32>} : memref<16xi32, #tpu.memory_space<vmem>>, vector<16xi32>,
    %scan3A_128 = arith.constant 1 : i32
    %dma_wait3A = arith.constant 0 : i32
    %dma_wait3A_129 = arith.constant 0 : i32
    %dma_wait3A_130 = tpu.memref_slice %arg14[%dma_wait3A, %dma_wait3A_129] : memref<96x256xf32, #tpu.memory_space<vmem>> -> memref<16x256xf32, #tpu.memory_space<vmem>>
    %dma_wait3A_131 = arith.constant 0 : i32
    %dma_wait3A_132 = tpu.memref_slice %arg9[%mul3A_2, %dma_wait3A_131] : memref<512x256xf32, #tpu.memory_space<hbm>> -> memref<16x256xf32, #tpu.memory_space<hbm>>
    %dma_wait3A_133 = arith.constant 0 : i32
    %dma_wait3A_134 = arith.constant 0 : i32
    %dma_wait3A_135 = tpu.memref_slice %arg14[%dma_wait3A_133, %dma_wait3A_134] : memref<96x256xf32, #tpu.memory_space<vmem>> -> memref<16x256xf32, #tpu.memory_space<vmem>>
    %dma_wait3A_136 = arith.constant 0 : i32
    %dma_wait3A_137 = tpu.memref_slice %arg9[%mul3A_2, %dma_wait3A_136] : memref<512x256xf32, #tpu.memory_space<hbm>> -> memref<16x256xf32, #tpu.memory_space<hbm>>
    tpu.wait_dma2 semaphore(%arg29 : memref<!tpu.dma_semaphore, #tpu.memory_space<semaphore_mem>>) src(%dma_wait3A_137 : memref<16x256xf32, #tpu.memory_space<hbm>>) dst(%dma_wait3A_135 : memref<16x256xf32, #tpu.memory_space<vmem>>)
    %dma_start3A_138 = arith.constant 0 : i32
    %dma_start3A_139 = arith.constant 0 : i32
    %dma_start3A_140 = tpu.memref_slice %arg14[%dma_start3A_138, %dma_start3A_139] : memref<96x256xf32, #tpu.memory_space<vmem>> -> memref<16x256xf32, #tpu.memory_space<vmem>>
    %dma_start3A_141 = arith.constant 0 : i32
    %dma_start3A_142 = arith.constant 0 : i32
    %dma_start3A_143 = tpu.memref_slice %arg10[%dma_start3A_141, %dma_start3A_142] : memref<18432x256xf32, #tpu.memory_space<hbm>> -> memref<18432x256xf32, #tpu.memory_space<hbm>>
    tpu.enqueue_indirect_dma source(%dma_start3A_140 : memref<16x256xf32, #tpu.memory_space<vmem>>) target(%dma_start3A_143 : memref<18432x256xf32, #tpu.memory_space<hbm>>) offsets(%arg26 : memref<16xi32, #tpu.memory_space<vmem>>) semaphore(%arg34 : memref<!tpu.dma_semaphore, #tpu.memory_space<semaphore_mem>>)
    %mul3A_144 = arith.constant 48 : i32
    %mul3A_145 = arith.muli %add3A, %mul3A_144 : i32
    %dma_start3A_146 = arith.constant 0 : i32
    %dma_start3A_147 = arith.constant 0 : i32
    %dma_start3A_148 = tpu.memref_slice %arg16[%dma_start3A_146, %dma_start3A_147] : memref<128x256xf32, #tpu.memory_space<vmem>> -> memref<48x256xf32, #tpu.memory_space<vmem>>
    %dma_start3A_149 = arith.constant 0 : i32
    %dma_start3A_150 = tpu.memref_slice %arg7[%mul3A_145, %dma_start3A_149] : memref<1536x256xf32, #tpu.memory_space<hbm>> -> memref<48x256xf32, #tpu.memory_space<hbm>>
    %dma_start3A_151 = arith.constant 0 : i32
    %dma_start3A_152 = arith.constant 0 : i32
    %dma_start3A_153 = tpu.memref_slice %arg16[%dma_start3A_151, %dma_start3A_152] : memref<128x256xf32, #tpu.memory_space<vmem>> -> memref<48x256xf32, #tpu.memory_space<vmem>>
    %dma_start3A_154 = arith.constant 0 : i32
    %dma_start3A_155 = tpu.memref_slice %arg7[%mul3A_145, %dma_start3A_154] : memref<1536x256xf32, #tpu.memory_space<hbm>> -> memref<48x256xf32, #tpu.memory_space<hbm>>
    tpu.enqueue_dma source(%dma_start3A_155 : memref<48x256xf32, #tpu.memory_space<hbm>>) target(%dma_start3A_153 : memref<48x256xf32, #tpu.memory_space<vmem>>) target_semaphore(%arg31 : memref<!tpu.dma_semaphore, #tpu.memory_space<semaphore_mem>>)
    %dma_wait3A_156 = arith.constant 0 : i32
    %dma_wait3A_157 = arith.constant 0 : i32
    %dma_wait3A_158 = tpu.memref_slice %arg15[%dma_wait3A_156, %dma_wait3A_157] : memref<112x256xf32, #tpu.memory_space<vmem>> -> memref<32x256xf32, #tpu.memory_space<vmem>>
    %dma_wait3A_159 = arith.constant 0 : i32
    %dma_wait3A_160 = tpu.memref_slice %arg8[%mul3A_13, %dma_wait3A_159] : memref<1024x256xf32, #tpu.memory_space<hbm>> -> memref<32x256xf32, #tpu.memory_space<hbm>>
    %dma_wait3A_161 = arith.constant 0 : i32
    %dma_wait3A_162 = arith.constant 0 : i32
    %dma_wait3A_163 = tpu.memref_slice %arg15[%dma_wait3A_161, %dma_wait3A_162] : memref<112x256xf32, #tpu.memory_space<vmem>> -> memref<32x256xf32, #tpu.memory_space<vmem>>
    %dma_wait3A_164 = arith.constant 0 : i32
    %dma_wait3A_165 = tpu.memref_slice %arg8[%mul3A_13, %dma_wait3A_164] : memref<1024x256xf32, #tpu.memory_space<hbm>> -> memref<32x256xf32, #tpu.memory_space<hbm>>
    tpu.wait_dma2 semaphore(%arg30 : memref<!tpu.dma_semaphore, #tpu.memory_space<semaphore_mem>>) src(%dma_wait3A_165 : memref<32x256xf32, #tpu.memory_space<hbm>>) dst(%dma_wait3A_163 : memref<32x256xf32, #tpu.memory_space<vmem>>)
    %dma_start3A_166 = arith.constant 0 : i32
    %dma_start3A_167 = arith.constant 0 : i32
    %dma_start3A_168 = tpu.memref_slice %arg15[%dma_start3A_166, %dma_start3A_167] : memref<112x256xf32, #tpu.memory_space<vmem>> -> memref<32x256xf32, #tpu.memory_space<vmem>>
    %dma_start3A_169 = arith.constant 0 : i32
    %dma_start3A_170 = arith.constant 0 : i32
    %dma_start3A_171 = tpu.memref_slice %arg10[%dma_start3A_169, %dma_start3A_170] : memref<18432x256xf32, #tpu.memory_space<hbm>> -> memref<18432x256xf32, #tpu.memory_space<hbm>>
    tpu.enqueue_indirect_dma source(%dma_start3A_168 : memref<32x256xf32, #tpu.memory_space<vmem>>) target(%dma_start3A_171 : memref<18432x256xf32, #tpu.memory_space<hbm>>) offsets(%arg25 : memref<32xi32, #tpu.memory_space<vmem>>) semaphore(%arg35 : memref<!tpu.dma_semaphore, #tpu.memory_space<semaphore_mem>>)
    %mul3A_172 = arith.constant 64 : i32
    %mul3A_173 = arith.muli %add3A, %mul3A_172 : i32
    %dma_start3A_174 = arith.constant 0 : i32
    %dma_start3A_175 = arith.constant 0 : i32
    %dma_start3A_176 = tpu.memref_slice %arg17[%dma_start3A_174, %dma_start3A_175] : memref<64x256xf32, #tpu.memory_space<vmem>> -> memref<64x256xf32, #tpu.memory_space<vmem>>
    %dma_start3A_177 = arith.constant 0 : i32
    %dma_start3A_178 = tpu.memref_slice %arg6[%mul3A_173, %dma_start3A_177] : memref<2048x256xf32, #tpu.memory_space<hbm>> -> memref<64x256xf32, #tpu.memory_space<hbm>>
    %dma_start3A_179 = arith.constant 0 : i32
    %dma_start3A_180 = arith.constant 0 : i32
    %dma_start3A_181 = tpu.memref_slice %arg17[%dma_start3A_179, %dma_start3A_180] : memref<64x256xf32, #tpu.memory_space<vmem>> -> memref<64x256xf32, #tpu.memory_space<vmem>>
    %dma_start3A_182 = arith.constant 0 : i32
    %dma_start3A_183 = tpu.memref_slice %arg6[%mul3A_173, %dma_start3A_182] : memref<2048x256xf32, #tpu.memory_space<hbm>> -> memref<64x256xf32, #tpu.memory_space<hbm>>
    tpu.enqueue_dma source(%dma_start3A_183 : memref<64x256xf32, #tpu.memory_space<hbm>>) target(%dma_start3A_181 : memref<64x256xf32, #tpu.memory_space<vmem>>) target_semaphore(%arg32 : memref<!tpu.dma_semaphore, #tpu.memory_space<semaphore_mem>>)
    %dma_wait3A_184 = arith.constant 0 : i32
    %dma_wait3A_185 = arith.constant 0 : i32
    %dma_wait3A_186 = tpu.memref_slice %arg16[%dma_wait3A_184, %dma_wait3A_185] : memref<128x256xf32, #tpu.memory_space<vmem>> -> memref<48x256xf32, #tpu.memory_space<vmem>>
    %dma_wait3A_187 = arith.constant 0 : i32
    %dma_wait3A_188 = tpu.memref_slice %arg7[%mul3A_145, %dma_wait3A_187] : memref<1536x256xf32, #tpu.memory_space<hbm>> -> memref<48x256xf32, #tpu.memory_space<hbm>>
    %dma_wait3A_189 = arith.constant 0 : i32
    %dma_wait3A_190 = arith.constant 0 : i32
    %dma_wait3A_191 = tpu.memref_slice %arg16[%dma_wait3A_189, %dma_wait3A_190] : memref<128x256xf32, #tpu.memory_space<vmem>> -> memref<48x256xf32, #tpu.memory_space<vmem>>
    %dma_wait3A_192 = arith.constant 0 : i32
    %dma_wait3A_193 = tpu.memref_slice %arg7[%mul3A_145, %dma_wait3A_192] : memref<1536x256xf32, #tpu.memory_space<hbm>> -> memref<48x256xf32, #tpu.memory_space<hbm>>
    tpu.wait_dma2 semaphore(%arg31 : memref<!tpu.dma_semaphore, #tpu.memory_space<semaphore_mem>>) src(%dma_wait3A_193 : memref<48x256xf32, #tpu.memory_space<hbm>>) dst(%dma_wait3A_191 : memref<48x256xf32, #tpu.memory_space<vmem>>)
    %dma_start3A_194 = arith.constant 0 : i32
    %dma_start3A_195 = arith.constant 0 : i32
    %dma_start3A_196 = tpu.memref_slice %arg16[%dma_start3A_194, %dma_start3A_195] : memref<128x256xf32, #tpu.memory_space<vmem>> -> memref<48x256xf32, #tpu.memory_space<vmem>>
    %dma_start3A_197 = arith.constant 0 : i32
    %dma_start3A_198 = arith.constant 0 : i32
    %dma_start3A_199 = tpu.memref_slice %arg10[%dma_start3A_197, %dma_start3A_198] : memref<18432x256xf32, #tpu.memory_space<hbm>> -> memref<18432x256xf32, #tpu.memory_space<hbm>>
    tpu.enqueue_indirect_dma source(%dma_start3A_196 : memref<48x256xf32, #tpu.memory_space<vmem>>) target(%dma_start3A_199 : memref<18432x256xf32, #tpu.memory_space<hbm>>) offsets(%arg24 : memref<48xi32, #tpu.memory_space<vmem>>) semaphore(%arg36 : memref<!tpu.dma_semaphore, #tpu.memory_space<semaphore_mem>>)
    %mul3A_200 = arith.constant 80 : i32
    %mul3A_201 = arith.muli %add3A, %mul3A_200 : i32
    %dma_start3A_202 = arith.constant 0 : i32
    %dma_start3A_203 = arith.constant 0 : i32
    %dma_start3A_204 = tpu.memref_slice %arg18[%dma_start3A_202, %dma_start3A_203] : memref<80x256xf32, #tpu.memory_space<vmem>> -> memref<80x256xf32, #tpu.memory_space<vmem>>
    %dma_start3A_205 = arith.constant 0 : i32
    %dma_start3A_206 = tpu.memref_slice %arg5[%mul3A_201, %dma_start3A_205] : memref<2560x256xf32, #tpu.memory_space<hbm>> -> memref<80x256xf32, #tpu.memory_space<hbm>>
    %dma_start3A_207 = arith.constant 0 : i32
    %dma_start3A_208 = arith.constant 0 : i32
    %dma_start3A_209 = tpu.memref_slice %arg18[%dma_start3A_207, %dma_start3A_208] : memref<80x256xf32, #tpu.memory_space<vmem>> -> memref<80x256xf32, #tpu.memory_space<vmem>>
    %dma_start3A_210 = arith.constant 0 : i32
    %dma_start3A_211 = tpu.memref_slice %arg5[%mul3A_201, %dma_start3A_210] : memref<2560x256xf32, #tpu.memory_space<hbm>> -> memref<80x256xf32, #tpu.memory_space<hbm>>
    tpu.enqueue_dma source(%dma_start3A_211 : memref<80x256xf32, #tpu.memory_space<hbm>>) target(%dma_start3A_209 : memref<80x256xf32, #tpu.memory_space<vmem>>) target_semaphore(%arg33 : memref<!tpu.dma_semaphore, #tpu.memory_space<semaphore_mem>>)
    %dma_wait3A_212 = arith.constant 0 : i32
    %dma_wait3A_213 = arith.constant 0 : i32
    %dma_wait3A_214 = tpu.memref_slice %arg17[%dma_wait3A_212, %dma_wait3A_213] : memref<64x256xf32, #tpu.memory_space<vmem>> -> memref<64x256xf32, #tpu.memory_space<vmem>>
    %dma_wait3A_215 = arith.constant 0 : i32
    %dma_wait3A_216 = tpu.memref_slice %arg6[%mul3A_173, %dma_wait3A_215] : memref<2048x256xf32, #tpu.memory_space<hbm>> -> memref<64x256xf32, #tpu.memory_space<hbm>>
    %dma_wait3A_217 = arith.constant 0 : i32
    %dma_wait3A_218 = arith.constant 0 : i32
    %dma_wait3A_219 = tpu.memref_slice %arg17[%dma_wait3A_217, %dma_wait3A_218] : memref<64x256xf32, #tpu.memory_space<vmem>> -> memref<64x256xf32, #tpu.memory_space<vmem>>
    %dma_wait3A_220 = arith.constant 0 : i32
    %dma_wait3A_221 = tpu.memref_slice %arg6[%mul3A_173, %dma_wait3A_220] : memref<2048x256xf32, #tpu.memory_space<hbm>> -> memref<64x256xf32, #tpu.memory_space<hbm>>
    tpu.wait_dma2 semaphore(%arg32 : memref<!tpu.dma_semaphore, #tpu.memory_space<semaphore_mem>>) src(%dma_wait3A_221 : memref<64x256xf32, #tpu.memory_space<hbm>>) dst(%dma_wait3A_219 : memref<64x256xf32, #tpu.memory_space<vmem>>)
    %dma_start3A_222 = arith.constant 0 : i32
    %dma_start3A_223 = arith.constant 0 : i32
    %dma_start3A_224 = tpu.memref_slice %arg17[%dma_start3A_222, %dma_start3A_223] : memref<64x256xf32, #tpu.memory_space<vmem>> -> memref<64x256xf32, #tpu.memory_space<vmem>>
    %dma_start3A_225 = arith.constant 0 : i32
    %dma_start3A_226 = arith.constant 0 : i32
    %dma_start3A_227 = tpu.memref_slice %arg10[%dma_start3A_225, %dma_start3A_226] : memref<18432x256xf32, #tpu.memory_space<hbm>> -> memref<18432x256xf32, #tpu.memory_space<hbm>>
    tpu.enqueue_indirect_dma source(%dma_start3A_224 : memref<64x256xf32, #tpu.memory_space<vmem>>) target(%dma_start3A_227 : memref<18432x256xf32, #tpu.memory_space<hbm>>) offsets(%arg23 : memref<64xi32, #tpu.memory_space<vmem>>) semaphore(%arg37 : memref<!tpu.dma_semaphore, #tpu.memory_space<semaphore_mem>>)
    %dma_wait3A_228 = arith.constant 0 : i32
    %dma_wait3A_229 = arith.constant 0 : i32
    %dma_wait3A_230 = tpu.memref_slice %arg14[%dma_wait3A_228, %dma_wait3A_229] : memref<96x256xf32, #tpu.memory_space<vmem>> -> memref<16x256xf32, #tpu.memory_space<vmem>>
    %dma_wait3A_231 = arith.constant 0 : i32
    %dma_wait3A_232 = arith.constant 0 : i32
    %dma_wait3A_233 = tpu.memref_slice %arg10[%dma_wait3A_231, %dma_wait3A_232] : memref<18432x256xf32, #tpu.memory_space<hbm>> -> memref<18432x256xf32, #tpu.memory_space<hbm>>
    tpu.wait_indirect_dma semaphore(%arg34 : memref<!tpu.dma_semaphore, #tpu.memory_space<semaphore_mem>>) src(%dma_wait3A_230 : memref<16x256xf32, #tpu.memory_space<vmem>>) dst(%dma_wait3A_233 : memref<18432x256xf32, #tpu.memory_space<hbm>>)
    %mul3A_234 = arith.constant 96 : i32
    %mul3A_235 = arith.muli %add3A, %mul3A_234 : i32
    %dma_start3A_236 = arith.constant 0 : i32
    %dma_start3A_237 = arith.constant 0 : i32
    %dma_start3A_238 = tpu.memref_slice %arg14[%dma_start3A_236, %dma_start3A_237] : memref<96x256xf32, #tpu.memory_space<vmem>> -> memref<96x256xf32, #tpu.memory_space<vmem>>
    %dma_start3A_239 = arith.constant 0 : i32
    %dma_start3A_240 = tpu.memref_slice %arg4[%mul3A_235, %dma_start3A_239] : memref<3072x256xf32, #tpu.memory_space<hbm>> -> memref<96x256xf32, #tpu.memory_space<hbm>>
    %dma_start3A_241 = arith.constant 0 : i32
    %dma_start3A_242 = arith.constant 0 : i32
    %dma_start3A_243 = tpu.memref_slice %arg14[%dma_start3A_241, %dma_start3A_242] : memref<96x256xf32, #tpu.memory_space<vmem>> -> memref<96x256xf32, #tpu.memory_space<vmem>>
    %dma_start3A_244 = arith.constant 0 : i32
    %dma_start3A_245 = tpu.memref_slice %arg4[%mul3A_235, %dma_start3A_244] : memref<3072x256xf32, #tpu.memory_space<hbm>> -> memref<96x256xf32, #tpu.memory_space<hbm>>
    tpu.enqueue_dma source(%dma_start3A_245 : memref<96x256xf32, #tpu.memory_space<hbm>>) target(%dma_start3A_243 : memref<96x256xf32, #tpu.memory_space<vmem>>) target_semaphore(%arg29 : memref<!tpu.dma_semaphore, #tpu.memory_space<semaphore_mem>>)
    %dma_wait3A_246 = arith.constant 0 : i32
    %dma_wait3A_247 = arith.constant 0 : i32
    %dma_wait3A_248 = tpu.memref_slice %arg18[%dma_wait3A_246, %dma_wait3A_247] : memref<80x256xf32, #tpu.memory_space<vmem>> -> memref<80x256xf32, #tpu.memory_space<vmem>>
    %dma_wait3A_249 = arith.constant 0 : i32
    %dma_wait3A_250 = tpu.memref_slice %arg5[%mul3A_201, %dma_wait3A_249] : memref<2560x256xf32, #tpu.memory_space<hbm>> -> memref<80x256xf32, #tpu.memory_space<hbm>>
    %dma_wait3A_251 = arith.constant 0 : i32
    %dma_wait3A_252 = arith.constant 0 : i32
    %dma_wait3A_253 = tpu.memref_slice %arg18[%dma_wait3A_251, %dma_wait3A_252] : memref<80x256xf32, #tpu.memory_space<vmem>> -> memref<80x256xf32, #tpu.memory_space<vmem>>
    %dma_wait3A_254 = arith.constant 0 : i32
    %dma_wait3A_255 = tpu.memref_slice %arg5[%mul3A_201, %dma_wait3A_254] : memref<2560x256xf32, #tpu.memory_space<hbm>> -> memref<80x256xf32, #tpu.memory_space<hbm>>
    tpu.wait_dma2 semaphore(%arg33 : memref<!tpu.dma_semaphore, #tpu.memory_space<semaphore_mem>>) src(%dma_wait3A_255 : memref<80x256xf32, #tpu.memory_space<hbm>>) dst(%dma_wait3A_253 : memref<80x256xf32, #tpu.memory_space<vmem>>)
    %dma_start3A_256 = arith.constant 0 : i32
    %dma_start3A_257 = arith.constant 0 : i32
    %dma_start3A_258 = tpu.memref_slice %arg18[%dma_start3A_256, %dma_start3A_257] : memref<80x256xf32, #tpu.memory_space<vmem>> -> memref<80x256xf32, #tpu.memory_space<vmem>>
    %dma_start3A_259 = arith.constant 0 : i32
    %dma_start3A_260 = arith.constant 0 : i32
    %dma_start3A_261 = tpu.memref_slice %arg10[%dma_start3A_259, %dma_start3A_260] : memref<18432x256xf32, #tpu.memory_space<hbm>> -> memref<18432x256xf32, #tpu.memory_space<hbm>>
    tpu.enqueue_indirect_dma source(%dma_start3A_258 : memref<80x256xf32, #tpu.memory_space<vmem>>) target(%dma_start3A_261 : memref<18432x256xf32, #tpu.memory_space<hbm>>) offsets(%arg22 : memref<80xi32, #tpu.memory_space<vmem>>) semaphore(%arg38 : memref<!tpu.dma_semaphore, #tpu.memory_space<semaphore_mem>>)
    %dma_wait3A_262 = arith.constant 0 : i32
    %dma_wait3A_263 = arith.constant 0 : i32
    %dma_wait3A_264 = tpu.memref_slice %arg15[%dma_wait3A_262, %dma_wait3A_263] : memref<112x256xf32, #tpu.memory_space<vmem>> -> memref<32x256xf32, #tpu.memory_space<vmem>>
    %dma_wait3A_265 = arith.constant 0 : i32
    %dma_wait3A_266 = arith.constant 0 : i32
    %dma_wait3A_267 = tpu.memref_slice %arg10[%dma_wait3A_265, %dma_wait3A_266] : memref<18432x256xf32, #tpu.memory_space<hbm>> -> memref<18432x256xf32, #tpu.memory_space<hbm>>
    tpu.wait_indirect_dma semaphore(%arg35 : memref<!tpu.dma_semaphore, #tpu.memory_space<semaphore_mem>>) src(%dma_wait3A_264 : memref<32x256xf32, #tpu.memory_space<vmem>>) dst(%dma_wait3A_267 : memref<18432x256xf32, #tpu.memory_space<hbm>>)
    %mul3A_268 = arith.constant 112 : i32
    %mul3A_269 = arith.muli %add3A, %mul3A_268 : i32
    %dma_start3A_270 = arith.constant 0 : i32
    %dma_start3A_271 = arith.constant 0 : i32
    %dma_start3A_272 = tpu.memref_slice %arg15[%dma_start3A_270, %dma_start3A_271] : memref<112x256xf32, #tpu.memory_space<vmem>> -> memref<112x256xf32, #tpu.memory_space<vmem>>
    %dma_start3A_273 = arith.constant 0 : i32
    %dma_start3A_274 = tpu.memref_slice %arg3[%mul3A_269, %dma_start3A_273] : memref<3584x256xf32, #tpu.memory_space<hbm>> -> memref<112x256xf32, #tpu.memory_space<hbm>>
    %dma_start3A_275 = arith.constant 0 : i32
    %dma_start3A_276 = arith.constant 0 : i32
    %dma_start3A_277 = tpu.memref_slice %arg15[%dma_start3A_275, %dma_start3A_276] : memref<112x256xf32, #tpu.memory_space<vmem>> -> memref<112x256xf32, #tpu.memory_space<vmem>>
    %dma_start3A_278 = arith.constant 0 : i32
    %dma_start3A_279 = tpu.memref_slice %arg3[%mul3A_269, %dma_start3A_278] : memref<3584x256xf32, #tpu.memory_space<hbm>> -> memref<112x256xf32, #tpu.memory_space<hbm>>
    tpu.enqueue_dma source(%dma_start3A_279 : memref<112x256xf32, #tpu.memory_space<hbm>>) target(%dma_start3A_277 : memref<112x256xf32, #tpu.memory_space<vmem>>) target_semaphore(%arg30 : memref<!tpu.dma_semaphore, #tpu.memory_space<semaphore_mem>>)
    %dma_wait3A_280 = arith.constant 0 : i32
    %dma_wait3A_281 = arith.constant 0 : i32
    %dma_wait3A_282 = tpu.memref_slice %arg14[%dma_wait3A_280, %dma_wait3A_281] : memref<96x256xf32, #tpu.memory_space<vmem>> -> memref<96x256xf32, #tpu.memory_space<vmem>>
    %dma_wait3A_283 = arith.constant 0 : i32
    %dma_wait3A_284 = tpu.memref_slice %arg4[%mul3A_235, %dma_wait3A_283] : memref<3072x256xf32, #tpu.memory_space<hbm>> -> memref<96x256xf32, #tpu.memory_space<hbm>>
    %dma_wait3A_285 = arith.constant 0 : i32
    %dma_wait3A_286 = arith.constant 0 : i32
    %dma_wait3A_287 = tpu.memref_slice %arg14[%dma_wait3A_285, %dma_wait3A_286] : memref<96x256xf32, #tpu.memory_space<vmem>> -> memref<96x256xf32, #tpu.memory_space<vmem>>
    %dma_wait3A_288 = arith.constant 0 : i32
    %dma_wait3A_289 = tpu.memref_slice %arg4[%mul3A_235, %dma_wait3A_288] : memref<3072x256xf32, #tpu.memory_space<hbm>> -> memref<96x256xf32, #tpu.memory_space<hbm>>
    tpu.wait_dma2 semaphore(%arg29 : memref<!tpu.dma_semaphore, #tpu.memory_space<semaphore_mem>>) src(%dma_wait3A_289 : memref<96x256xf32, #tpu.memory_space<hbm>>) dst(%dma_wait3A_287 : memref<96x256xf32, #tpu.memory_space<vmem>>)
    %dma_start3A_290 = arith.constant 0 : i32
    %dma_start3A_291 = arith.constant 0 : i32
    %dma_start3A_292 = tpu.memref_slice %arg14[%dma_start3A_290, %dma_start3A_291] : memref<96x256xf32, #tpu.memory_space<vmem>> -> memref<96x256xf32, #tpu.memory_space<vmem>>
    %dma_start3A_293 = arith.constant 0 : i32
    %dma_start3A_294 = arith.constant 0 : i32
    %dma_start3A_295 = tpu.memref_slice %arg10[%dma_start3A_293, %dma_start3A_294] : memref<18432x256xf32, #tpu.memory_space<hbm>> -> memref<18432x256xf32, #tpu.memory_space<hbm>>
    tpu.enqueue_indirect_dma source(%dma_start3A_292 : memref<96x256xf32, #tpu.memory_space<vmem>>) target(%dma_start3A_295 : memref<18432x256xf32, #tpu.memory_space<hbm>>) offsets(%arg21 : memref<96xi32, #tpu.memory_space<vmem>>) semaphore(%arg34 : memref<!tpu.dma_semaphore, #tpu.memory_space<semaphore_mem>>)
    %dma_wait3A_296 = arith.constant 0 : i32
    %dma_wait3A_297 = arith.constant 0 : i32
    %dma_wait3A_298 = tpu.memref_slice %arg16[%dma_wait3A_296, %dma_wait3A_297] : memref<128x256xf32, #tpu.memory_space<vmem>> -> memref<48x256xf32, #tpu.memory_space<vmem>>
    %dma_wait3A_299 = arith.constant 0 : i32
    %dma_wait3A_300 = arith.constant 0 : i32
    %dma_wait3A_301 = tpu.memref_slice %arg10[%dma_wait3A_299, %dma_wait3A_300] : memref<18432x256xf32, #tpu.memory_space<hbm>> -> memref<18432x256xf32, #tpu.memory_space<hbm>>
    tpu.wait_indirect_dma semaphore(%arg36 : memref<!tpu.dma_semaphore, #tpu.memory_space<semaphore_mem>>) src(%dma_wait3A_298 : memref<48x256xf32, #tpu.memory_space<vmem>>) dst(%dma_wait3A_301 : memref<18432x256xf32, #tpu.memory_space<hbm>>)
    %mul3A_302 = arith.constant 128 : i32
    %mul3A_303 = arith.muli %add3A, %mul3A_302 : i32
    %dma_start3A_304 = arith.constant 0 : i32
    %dma_start3A_305 = arith.constant 0 : i32
    %dma_start3A_306 = tpu.memref_slice %arg16[%dma_start3A_304, %dma_start3A_305] : memref<128x256xf32, #tpu.memory_space<vmem>> -> memref<128x256xf32, #tpu.memory_space<vmem>>
    %dma_start3A_307 = arith.constant 0 : i32
    %dma_start3A_308 = tpu.memref_slice %arg2[%mul3A_303, %dma_start3A_307] : memref<4096x256xf32, #tpu.memory_space<hbm>> -> memref<128x256xf32, #tpu.memory_space<hbm>>
    %dma_start3A_309 = arith.constant 0 : i32
    %dma_start3A_310 = arith.constant 0 : i32
    %dma_start3A_311 = tpu.memref_slice %arg16[%dma_start3A_309, %dma_start3A_310] : memref<128x256xf32, #tpu.memory_space<vmem>> -> memref<128x256xf32, #tpu.memory_space<vmem>>
    %dma_start3A_312 = arith.constant 0 : i32
    %dma_start3A_313 = tpu.memref_slice %arg2[%mul3A_303, %dma_start3A_312] : memref<4096x256xf32, #tpu.memory_space<hbm>> -> memref<128x256xf32, #tpu.memory_space<hbm>>
    tpu.enqueue_dma source(%dma_start3A_313 : memref<128x256xf32, #tpu.memory_space<hbm>>) target(%dma_start3A_311 : memref<128x256xf32, #tpu.memory_space<vmem>>) target_semaphore(%arg31 : memref<!tpu.dma_semaphore, #tpu.memory_space<semaphore_mem>>)
    %dma_wait3A_314 = arith.constant 0 : i32
    %dma_wait3A_315 = arith.constant 0 : i32
    %dma_wait3A_316 = tpu.memref_slice %arg15[%dma_wait3A_314, %dma_wait3A_315] : memref<112x256xf32, #tpu.memory_space<vmem>> -> memref<112x256xf32, #tpu.memory_space<vmem>>
    %dma_wait3A_317 = arith.constant 0 : i32
    %dma_wait3A_318 = tpu.memref_slice %arg3[%mul3A_269, %dma_wait3A_317] : memref<3584x256xf32, #tpu.memory_space<hbm>> -> memref<112x256xf32, #tpu.memory_space<hbm>>
    %dma_wait3A_319 = arith.constant 0 : i32
    %dma_wait3A_320 = arith.constant 0 : i32
    %dma_wait3A_321 = tpu.memref_slice %arg15[%dma_wait3A_319, %dma_wait3A_320] : memref<112x256xf32, #tpu.memory_space<vmem>> -> memref<112x256xf32, #tpu.memory_space<vmem>>
    %dma_wait3A_322 = arith.constant 0 : i32
    %dma_wait3A_323 = tpu.memref_slice %arg3[%mul3A_269, %dma_wait3A_322] : memref<3584x256xf32, #tpu.memory_space<hbm>> -> memref<112x256xf32, #tpu.memory_space<hbm>>
    tpu.wait_dma2 semaphore(%arg30 : memref<!tpu.dma_semaphore, #tpu.memory_space<semaphore_mem>>) src(%dma_wait3A_323 : memref<112x256xf32, #tpu.memory_space<hbm>>) dst(%dma_wait3A_321 : memref<112x256xf32, #tpu.memory_space<vmem>>)
    %dma_start3A_324 = arith.constant 0 : i32
    %dma_start3A_325 = arith.constant 0 : i32
    %dma_start3A_326 = tpu.memref_slice %arg15[%dma_start3A_324, %dma_start3A_325] : memref<112x256xf32, #tpu.memory_space<vmem>> -> memref<112x256xf32, #tpu.memory_space<vmem>>
    %dma_start3A_327 = arith.constant 0 : i32
    %dma_start3A_328 = arith.constant 0 : i32
    %dma_start3A_329 = tpu.memref_slice %arg10[%dma_start3A_327, %dma_start3A_328] : memref<18432x256xf32, #tpu.memory_space<hbm>> -> memref<18432x256xf32, #tpu.memory_space<hbm>>
    tpu.enqueue_indirect_dma source(%dma_start3A_326 : memref<112x256xf32, #tpu.memory_space<vmem>>) target(%dma_start3A_329 : memref<18432x256xf32, #tpu.memory_space<hbm>>) offsets(%arg20 : memref<112xi32, #tpu.memory_space<vmem>>) semaphore(%arg35 : memref<!tpu.dma_semaphore, #tpu.memory_space<semaphore_mem>>)
    %dma_wait3A_330 = arith.constant 0 : i32
    %dma_wait3A_331 = arith.constant 0 : i32
    %dma_wait3A_332 = tpu.memref_slice %arg16[%dma_wait3A_330, %dma_wait3A_331] : memref<128x256xf32, #tpu.memory_space<vmem>> -> memref<128x256xf32, #tpu.memory_space<vmem>>
    %dma_wait3A_333 = arith.constant 0 : i32
    %dma_wait3A_334 = tpu.memref_slice %arg2[%mul3A_303, %dma_wait3A_333] : memref<4096x256xf32, #tpu.memory_space<hbm>> -> memref<128x256xf32, #tpu.memory_space<hbm>>
    %dma_wait3A_335 = arith.constant 0 : i32
    %dma_wait3A_336 = arith.constant 0 : i32
    %dma_wait3A_337 = tpu.memref_slice %arg16[%dma_wait3A_335, %dma_wait3A_336] : memref<128x256xf32, #tpu.memory_space<vmem>> -> memref<128x256xf32, #tpu.memory_space<vmem>>
    %dma_wait3A_338 = arith.constant 0 : i32
    %dma_wait3A_339 = tpu.memref_slice %arg2[%mul3A_303, %dma_wait3A_338] : memref<4096x256xf32, #tpu.memory_space<hbm>> -> memref<128x256xf32, #tpu.memory_space<hbm>>
    tpu.wait_dma2 semaphore(%arg31 : memref<!tpu.dma_semaphore, #tpu.memory_space<semaphore_mem>>) src(%dma_wait3A_339 : memref<128x256xf32, #tpu.memory_space<hbm>>) dst(%dma_wait3A_337 : memref<128x256xf32, #tpu.memory_space<vmem>>)
    %dma_start3A_340 = arith.constant 0 : i32
    %dma_start3A_341 = arith.constant 0 : i32
    %dma_start3A_342 = tpu.memref_slice %arg16[%dma_start3A_340, %dma_start3A_341] : memref<128x256xf32, #tpu.memory_space<vmem>> -> memref<128x256xf32, #tpu.memory_space<vmem>>
    %dma_start3A_343 = arith.constant 0 : i32
    %dma_start3A_344 = arith.constant 0 : i32
    %dma_start3A_345 = tpu.memref_slice %arg10[%dma_start3A_343, %dma_start3A_344] : memref<18432x256xf32, #tpu.memory_space<hbm>> -> memref<18432x256xf32, #tpu.memory_space<hbm>>
    tpu.enqueue_indirect_dma source(%dma_start3A_342 : memref<128x256xf32, #tpu.memory_space<vmem>>) target(%dma_start3A_345 : memref<18432x256xf32, #tpu.memory_space<hbm>>) offsets(%arg19 : memref<128xi32, #tpu.memory_space<vmem>>) semaphore(%arg36 : memref<!tpu.dma_semaphore, #tpu.memory_space<semaphore_mem>>)
    %dma_wait3A_346 = arith.constant 0 : i32
    %dma_wait3A_347 = arith.constant 0 : i32
    %dma_wait3A_348 = tpu.memref_slice %arg17[%dma_wait3A_346, %dma_wait3A_347] : memref<64x256xf32, #tpu.memory_space<vmem>> -> memref<64x256xf32, #tpu.memory_space<vmem>>
    %dma_wait3A_349 = arith.constant 0 : i32
    %dma_wait3A_350 = arith.constant 0 : i32
    %dma_wait3A_351 = tpu.memref_slice %arg10[%dma_wait3A_349, %dma_wait3A_350] : memref<18432x256xf32, #tpu.memory_space<hbm>> -> memref<18432x256xf32, #tpu.memory_space<hbm>>
    tpu.wait_indirect_dma semaphore(%arg37 : memref<!tpu.dma_semaphore, #tpu.memory_space<semaphore_mem>>) src(%dma_wait3A_348 : memref<64x256xf32, #tpu.memory_space<vmem>>) dst(%dma_wait3A_351 : memref<18432x256xf32, #tpu.memory_space<hbm>>)
    %dma_wait3A_352 = arith.constant 0 : i32
    %dma_wait3A_353 = arith.constant 0 : i32
    %dma_wait3A_354 = tpu.memref_slice %arg18[%dma_wait3A_352, %dma_wait3A_353] : memref<80x256xf32, #tpu.memory_space<vmem>> -> memref<80x256xf32, #tpu.memory_space<vmem>>
    %dma_wait3A_355 = arith.constant 0 : i32
    %dma_wait3A_356 = arith.constant 0 : i32
    %dma_wait3A_357 = tpu.memref_slice %arg10[%dma_wait3A_355, %dma_wait3A_356] : memref<18432x256xf32, #tpu.memory_space<hbm>> -> memref<18432x256xf32, #tpu.memory_space<hbm>>
    tpu.wait_indirect_dma semaphore(%arg38 : memref<!tpu.dma_semaphore, #tpu.memory_space<semaphore_mem>>) src(%dma_wait3A_354 : memref<80x256xf32, #tpu.memory_space<vmem>>) dst(%dma_wait3A_357 : memref<18432x256xf32, #tpu.memory_space<hbm>>)
    %dma_wait3A_358 = arith.constant 0 : i32
    %dma_wait3A_359 = arith.constant 0 : i32
    %dma_wait3A_360 = tpu.memref_slice %arg14[%dma_wait3A_358, %dma_wait3A_359] : memref<96x256xf32, #tpu.memory_space<vmem>> -> memref<96x256xf32, #tpu.memory_space<vmem>>
    %dma_wait3A_361 = arith.constant 0 : i32
    %dma_wait3A_362 = arith.constant 0 : i32
    %dma_wait3A_363 = tpu.memref_slice %arg10[%dma_wait3A_361, %dma_wait3A_362] : memref<18432x256xf32, #tpu.memory_space<hbm>> -> memref<18432x256xf32, #tpu.memory_space<hbm>>
    tpu.wait_indirect_dma semaphore(%arg34 : memref<!tpu.dma_semaphore, #tpu.memory_space<semaphore_mem>>) src(%dma_wait3A_360 : memref<96x256xf32, #tpu.memory_space<vmem>>) dst(%dma_wait3A_363 : memref<18432x256xf32, #tpu.memory_space<hbm>>)
    %dma_wait3A_364 = arith.constant 0 : i32
    %dma_wait3A_365 = arith.constant 0 : i32
    %dma_wait3A_366 = tpu.memref_slice %arg15[%dma_wait3A_364, %dma_wait3A_365] : memref<112x256xf32, #tpu.memory_space<vmem>> -> memref<112x256xf32, #tpu.memory_space<vmem>>
    %dma_wait3A_367 = arith.constant 0 : i32
    %dma_wait3A_368 = arith.constant 0 : i32
    %dma_wait3A_369 = tpu.memref_slice %arg10[%dma_wait3A_367, %dma_wait3A_368] : memref<18432x256xf32, #tpu.memory_space<hbm>> -> memref<18432x256xf32, #tpu.memory_space<hbm>>
    tpu.wait_indirect_dma semaphore(%arg35 : memref<!tpu.dma_semaphore, #tpu.memory_space<semaphore_mem>>) src(%dma_wait3A_366 : memref<112x256xf32, #tpu.memory_space<vmem>>) dst(%dma_wait3A_369 : memref<18432x256xf32, #tpu.memory_space<hbm>>)
    %dma_wait3A_370 = arith.constant 0 : i32
    %dma_wait3A_371 = arith.constant 0 : i32
    %dma_wait3A_372 = tpu.memref_slice %arg16[%dma_wait3A_370, %dma_wait3A_371] : memref<128x256xf32, #tpu.memory_space<vmem>> -> memref<128x256xf32, #tpu.memory_space<vmem>>
    %dma_wait3A_373 = arith.constant 0 : i32
    %dma_wait3A_374 = arith.constant 0 : i32
    %dma_wait3A_375 = tpu.memref_slice %arg10[%dma_wait3A_373, %dma_wait3A_374] : memref<18432x256xf32, #tpu.memory_space<hbm>> -> memref<18432x256xf32, #tpu.memory_space<hbm>>
    tpu.wait_indirect_dma semaphore(%arg36 : memref<!tpu.dma_semaphore, #tpu.memory_space<semaphore_mem>>) src(%dma_wait3A_372 : memref<128x256xf32, #tpu.memory_space<vmem>>) dst(%dma_wait3A_375 : memref<18432x256xf32, #tpu.memory_space<hbm>>)
    %dma_wait3A_376 = tpu.memref_slice %arg11[%mul3A_25] : memref<4096xi32, #tpu.memory_space<hbm>> -> memref<128xi32, #tpu.memory_space<hbm>>
    %dma_wait3A_377 = tpu.memref_slice %arg11[%mul3A_25] : memref<4096xi32, #tpu.memory_space<hbm>> -> memref<128xi32, #tpu.memory_space<hbm>>
    tpu.wait_dma2 semaphore(%arg39 : memref<!tpu.dma_semaphore, #tpu.memory_space<semaphore_mem>>) src(%arg27 : memref<128xi32, #tpu.memory_space<vmem>>) dst(%dma_wait3A_377 : memref<128xi32, #tpu.memory_space<hbm>>)
    return
  }
}

</mosaic_0001>

<sc_bundles>
// kernel: kernel.3.cloned.1.call-start
scs
__scs_entry_jumppad:
0x0: {  	(pc) =	sbr.rel $0x88, $3  }
0x1: {  	(tag) =	ssettag $0x0;
	lr =	simm.s32 $0x1  }
0x2: {  	[smem:$0x3F99] =	sst lr;
	_ =	strace $0xD0000000  }
0x3: {  	_ = 	snop  }
0x4: {  	_ = 	snop  }
0x5: {  	_ = 	snop  }
0x6: {  	_ = 	snop  }
0x7: {  	_ = 	snop  }
__scs_overlays_trampoline_lowered:
0x8: {  	[smem:$0x3FA8] =	sst s0  }
0x9: {  	[smem:$0x3FA9] =	sst s1  }
0xa: {  	[smem:$0x3FAA] =	sst s2  }
0xb: {  	[smem:$0x3FAB] =	sst s3  }
0xc: {  	[smem:$0x3FAC] =	sst s4  }
0xd: {  	[smem:$0x3FAD] =	sst s5  }
0xe: {  	[smem:$0x3FAE] =	sst s6  }
0xf: {  	[smem:$0x3FAF] =	sst s7  }
0x10: {  	[smem:$0x3FB0] =	sst s8  }
0x11: {  	[smem:$0x3FB1] =	sst s9;
	s0 =	simm.s32 @!p0 $0x0  }
0x12: {  	s1 =	sld [smem:$0x3F97];
	s0 =	simm.s32 @p0 $0x1  }
0x13: {  	[smem:$0x3FB2] =	sst s0;
	s0 =	simm.s32 @!p1 $0x0  }
0x14: {  	s2 =	sld [smem:$0x3F96];
	s0 =	simm.s32 @p1 $0x1  }
0x15: {  	[smem:$0x3FB3] =	sst s0;
	s0 =	simm.s32 @!p2 $0x0  }
0x16: {  	s3 =	sld [smem:$0x3FDB];
	s0 =	simm.s32 @p2 $0x1  }
0x17: {  	s4 =	simm.s32 $0x1BF5;
	[smem:$0x3FB5] =	sst s0  }
0x18: {  	s0 =	sld [smem:$0x3F98];
	_ =	swait.ge [sflag:s4], $0x0  }
0x19: {  	s7 =	sld [smem:$0x3F99]  }
0x1a: {  	s8 =	sadd.s32 $0xFFFFE003, lr  }
0x1b: {  	s9 =	sadd.s32 $0xFFFFFEF7, lr;
	s5 =	simm.s32 $0xFFFFFFFF;
	p2 =	slt.u32 s8, $0xFFFFF086  }
0x1c: {  	p1 =	slt.u32 s9, $0xF7A;
	s5 =	simm.s32 @!p2 $0x0  }
0x1d: {  	s5 =	simm.s32 @p1 $0x1;
	p0 =	seq.s32 s7, s2  }
0x1e: {  	s7 =	smul.u32 @!p0 $0xF7A, s2;
	p2 =	seq.s32 @!p0 s5, $0x0  }
0x1f: {  	s9 =	smul.u32 $0xF7A, s1;
	s8 =	simm.s32 @!p0 $0x1BF5;
	p2 =	por !p2, p0  }
0x20: {  	[sflag:s8] =	ssyncset.s32 @!p0 $0xFFFFF086;
	s6 =	sadd.s32 @!p0 s3, s7;
	s7 =	simm.s32 @!p0 $0x108  }
0x21: {  	s3 =	sadd.s32 s3, s9;
	s6 =	sadd.s32 @!p0 $0x88, s6;
	s7 =	simm.s32 @p2 $0x1082  }
0x22: {  	[simem:s7], [sflag:s8] =	dma.local @!p0 [hbm:s6], $0xF7A  }
0x23: {  	s9 =	sor.u32 $0xD0000000, s2;
	s6 =	simm.s32 $0x108;
	_ =	swait.ge @!p0 [sflag:s8], $0x0  }
0x24: {  	s3 =	sadd.s32 $0x88, s3;
	s6 =	simm.s32 @!p1 $0x1082;
	[sflag:s4] =	ssyncset.s32 $0xFFFFF086  }
0x25: {  	[simem:s6], [sflag:s4] =	dma.local [hbm:s3], $0xF7A  }
0x26: {  	[smem:$0x3F99] =	sst s1;
	(tag) =	ssettag s2;
	_ =	strace s9  }
0x27: {  	s1 =	sld [smem:$0x3FA9]  }
0x28: {  	s2 =	sld [smem:$0x3FAA]  }
0x29: {  	s4 =	sld [smem:$0x3FAC]  }
0x2a: {  	p0 =	seq.s32 s5, $0x0;
	s5 =	sld [smem:$0x3FAD]  }
0x2b: {  	s6 =	sld [smem:$0x3FAE]  }
0x2c: {  	s7 =	sld [smem:$0x3FAF]  }
0x2d: {  	s3 =	simm.s32 $0x108;
	s8 =	sld [smem:$0x3FB0]  }
0x2e: {  	s3 =	simm.s32 @!p0 $0x1082;
	s9 =	sld [smem:$0x3FB1]  }
0x2f: {  	lr =	sadd.s32 s0, s3;
	s0 =	sld [smem:$0x3FA8]  }
0x30: {  	s3 =	sld [smem:$0x3FAB]  }
0x31: {  	[smem:$0x3FB4] =	sst s10  }
0x32: {  	s10 =	sld [smem:$0x3FB2];
	_ =	sdelay $0x3  }
0x33: {  	p0 =	seq.s32 s10, $0x1;
	s10 =	sld [smem:$0x3FB4];
	_ =	sdelay $0x3  }
0x34: {  	[smem:$0x3FB4] =	sst s10  }
0x35: {  	s10 =	sld [smem:$0x3FB3];
	_ =	sdelay $0x3  }
0x36: {  	p1 =	seq.s32 s10, $0x1;
	s10 =	sld [smem:$0x3FB4];
	_ =	sdelay $0x3  }
0x37: {  	[smem:$0x3FB4] =	sst s10  }
0x38: {  	s10 =	sld [smem:$0x3FB5]  }
0x39: {  	_ = 	snop;
	(pc) =	sbr.ind lr, $3  }
0x3a: {  	_ = 	snop  }
0x3b: {  	_ = 	snop  }
0x3c: {  	p2 =	seq.s32 s10, $0x1;
	s10 =	sld [smem:$0x3FB4]  }
0x3d: {  	_ =	shalt  }
0x3e: {  	_ =	shalt  }
0x3f: {  	_ =	shalt  }
0x40: {  	_ =	shalt  }
0x41: {  	_ =	shalt  }
0x42: {  	_ =	shalt  }
0x43: {  	_ =	shalt  }
0x44: {  	_ =	shalt  }
0x45: {  	_ =	shalt  }
0x46: {  	_ =	shalt  }
0x47: {  	_ =	shalt  }
0x48: {  	_ =	shalt  }
0x49: {  	_ =	shalt  }
0x4a: {  	_ =	shalt  }
0x4b: {  	_ =	shalt  }
0x4c: {  	_ =	shalt  }
0x4d: {  	_ =	shalt  }
0x4e: {  	_ =	shalt  }
0x4f: {  	_ =	shalt  }
0x50: {  	_ =	shalt  }
0x51: {  	_ =	shalt  }
0x52: {  	_ =	shalt  }
0x53: {  	_ =	shalt  }
0x54: {  	_ =	shalt  }
0x55: {  	_ =	shalt  }
0x56: {  	_ =	shalt  }
0x57: {  	_ =	shalt  }
0x58: {  	_ =	shalt  }
0x59: {  	_ =	shalt  }
0x5a: {  	_ =	shalt  }
0x5b: {  	_ =	shalt  }
0x5c: {  	_ =	shalt  }
0x5d: {  	_ =	shalt  }
0x5e: {  	_ =	shalt  }
0x5f: {  	_ =	shalt  }
0x60: {  	_ =	shalt  }
0x61: {  	_ =	shalt  }
0x62: {  	_ =	shalt  }
0x63: {  	_ =	shalt  }
0x64: {  	_ =	shalt  }
0x65: {  	_ =	shalt  }
0x66: {  	_ =	shalt  }
0x67: {  	_ =	shalt  }
0x68: {  	_ =	shalt  }
0x69: {  	_ =	shalt  }
0x6a: {  	_ =	shalt  }
0x6b: {  	_ =	shalt  }
0x6c: {  	_ =	shalt  }
0x6d: {  	_ =	shalt  }
0x6e: {  	_ =	shalt  }
0x6f: {  	_ =	shalt  }
0x70: {  	_ =	shalt  }
0x71: {  	_ =	shalt  }
0x72: {  	_ =	shalt  }
0x73: {  	_ =	shalt  }
0x74: {  	_ =	shalt  }
0x75: {  	_ =	shalt  }
0x76: {  	_ =	shalt  }
0x77: {  	_ =	shalt  }
0x78: {  	_ =	shalt  }
0x79: {  	_ =	shalt  }
0x7a: {  	_ =	shalt  }
0x7b: {  	_ =	shalt  }
0x7c: {  	_ =	shalt  }
0x7d: {  	_ =	shalt  }
0x7e: {  	_ =	shalt  }
0x7f: {  	_ =	shalt  }
0x80: {  	_ =	shalt  }
0x81: {  	_ =	shalt  }
0x82: {  	_ =	shalt  }
0x83: {  	_ =	shalt  }
0x84: {  	_ =	shalt  }
0x85: {  	_ =	shalt  }
0x86: {  	_ =	shalt  }
0x87: {  	_ =	shalt  }
.Lfunc_end0:
.L_simem_size_0:
called_computation_lowered:
.L_overlay_start_0:
0x88: {  	s2 =	sld [smem:$0x3FD9]  }
0x89: {  	s3 =	sld [smem:$0x3FFE];
	_ =	sdelay $0x1  }
0x8a: {  	s1 =	srdreg.scid  }
0x8b: {  	s0 =	sand.u32 $0x1, s1  }
0x8c: {  	s28 =	sshll.u32 s0, $0xA;
	s2 =	sadd.s32 s3, s2  }
0x8d: {  	s2 =	sadd.s32 s2, s28  }
0x8e: {  	[smem:$0x3FC0] =	sst s2  }
0x8f: {  	_ = 	snop  }
0x90: {  	s2 =	sld [smem:$0x3FC9]  }
0x91: {  	s29 =	sld [smem:$0x3FC8]  }
0x92: {  	s4 =	sld [smem:$0x3FC7]  }
0x93: {  	s5 =	sld [smem:$0x3FC6]  }
0x94: {  	s6 =	sld [smem:$0x3FC5]  }
0x95: {  	s7 =	sld [smem:$0x3FD0]  }
0x96: {  	s8 =	sld [smem:$0x3FC4]  }
0x97: {  	s9 =	sld [smem:$0x3FC3]  }
0x98: {  	s11 =	simm.s32 $0xA;
	s12 =	simm.s32 $0x10;
	s10 =	sld [smem:$0x3FC2]  }
0x99: {  	[smem:s12], [sflag:s11] =	dma.local [hbm:s7], $0x1  }
0x9a: {  	_ =	swait.eq [sflag:s11], $0x1  }
0x9b: {  	s30 =	sld [smem:$0x10]  }
0x9c: {  	s31 =	sld [smem:$0x11];
	[sflag:s11] =	ssyncset.done $0x0  }
0x9d: {  	s13 =	sld [smem:$0x12];
	[sflag:s11] =	ssyncadd.s32 $0xFFFFFFFF  }
0x9e: {  	s19 =	sld [smem:$0x13];
	(tm) =	ssettm $0x1  }
0x9f: {  	s14 =	sld [smem:$0x3FFB];
	_ =	sdelay $0x3  }
0xa0: {  	_ =	strace s14  }
0xa1: {  	s14 =	sld [smem:$0x3FFC];
	_ =	sdelay $0x3  }
0xa2: {  	_ =	strace s14  }
0xa3: {  	s14 =	sld [smem:$0x3FFD];
	_ =	sdelay $0x3  }
0xa4: {  	_ =	strace s14  }
0xa5: {  	_ =	strace $0x8FFFFFFF  }
0xa6: {  	s20 =	sld [smem:$0x3FDB];
	_ =	sdelay $0x1  }
0xa7: {  	s15 =	simm.s32 $_scs_section_size  }
0xa8: {  	s16 =	simm.s32 $_size__tile_overlayer_lowered;
	s17 =	simm.s32 $_tile_overlayer_lowered  }
0xa9: {  	s23 =	simm.s32 $0x1BFF;
	s22 =	sshll.u32 s17, $0x1;
	s14 =	sadd.s32 s15, s20  }
0xaa: {  	s18 =	simm.s32 $0x0;
	s21 =	sshll.u32 s16, $0x1;
	s16 =	sadd.s32 s22, s14  }
0xab: {  	[timem:s18], [sflag:s23] =	dma.local [hbm:s16], s21  }
0xac: {  	_ =	swait.ge [sflag:s23], s21  }
0xad: {  	s15 =	ssub.s32 $0x0, s21;
	[sflag:s23] =	ssyncset.done $0x0  }
0xae: {  	[sflag:s23] =	ssyncadd.s32 s15;
	_ =	sdelay $0x1  }
0xaf: {  	s24 =	simm.s32 $0x1B8B  }
0xb0: {  	_ =	swait.ge [sflag:s24], $0x1  }
0xb1: {  	[sflag:s24] =	ssyncset.done $0x0  }
0xb2: {  	s25 =	simm.s32 $0x1B8E;
	[sflag:s24] =	ssyncadd.s32 $0xFFFFFFFF  }
0xb3: {  	s26 =	simm.s32 $execute0_lowered;
	[smem:$0x3FD2] =	sst s25  }
0xb4: {  	s15 =	sshll.u32 s26, $0x1;
	_ =	strace $0x80000046;
	[dreg:$0x1] =	wrdreg $0xFFFFFFFF  }
0xb5: {  	s28 =	simm.s32 $_size_execute0_lowered;
	s14 =	sadd.s32 s14, s15;
	[dreg:$0x0] =	wrdreg $0x0  }
0xb6: {  	s15 =	sshll.u32 s28, $0x1;
	[dreg:$0x2] =	wrdreg s14  }
0xb7: {  	[dreg:$0x3] =	wrdreg s15  }
0xb8: {  	[dreg:$0x4] =	wrdreg $0xC0  }
0xb9: {  	_ =	task [dreg:s18], $0x5FFFF  }
0xba: {  	[dreg:$0x1] =	wrdreg $0xFFFFFFFF  }
0xbb: {  	[dreg:$0x0] =	wrdreg $0x60  }
0xbc: {  	[dreg:$0x2] =	wrdreg s2  }
0xbd: {  	[dreg:$0x3] =	wrdreg s29  }
0xbe: {  	[dreg:$0x4] =	wrdreg s4  }
0xbf: {  	[dreg:$0x5] =	wrdreg s5  }
0xc0: {  	[dreg:$0x6] =	wrdreg s6  }
0xc1: {  	[dreg:$0x7] =	wrdreg s8  }
0xc2: {  	[dreg:$0x8] =	wrdreg s9  }
0xc3: {  	[dreg:$0x9] =	wrdreg s10  }
0xc4: {  	[dreg:$0xa] =	wrdreg s30  }
0xc5: {  	[dreg:$0xb] =	wrdreg s31  }
0xc6: {  	[dreg:$0xc] =	wrdreg s13  }
0xc7: {  	[dreg:$0xd] =	wrdreg s19  }
0xc8: {  	[dreg:$0xe] =	wrdreg $0x9  }
0xc9: {  	_ =	task.clear_ibuf [dreg:s18], $0xFFFFF;
	_ =	strace $0x90000046  }
0xca: {  	s29 =	simm.s32 $0x9;
	_ =	strace $0x80000048  }
0xcb: {  	_ =	swait.ge [sflag:s29], $0x1  }
0xcc: {  	[sflag:s29] =	ssyncadd.s32 $0xFFFFFFFF  }
0xcd: {  	_ =	strace $0x90000048  }
0xce: {  	_ =	sfence  }
0xcf: {  	s30 =	sld [smem:$0x0];
	_ =	sdelay $0x2  }
0xd0: {  	s31 =	sshll.u32 s1, $0xD;
	s1 =	sshrl.u32 s1, $0x2  }
0xd1: {  	s3 =	sand.u32 $0x4000, s31;
	s1 =	sadd.s32 s1, s30  }
0xd2: {  	s0 =	sor.u32 s3, s0;
	s1 =	sshll.u32 s1, $0x11  }
0xd3: {  	s0 =	sor.u32 s1, s0  }
0xd4: {  	s0 =	sadd.s32 $0x8F2B, s0  }
0xd5: {  	[sflag:s0] =	ssyncadd.remote.s32 $0x1  }
0xd6: {  	_ =	sfence.sel $0xFFFF  }
0xd7: {  	[dreg:$0x0] =	wrdreg $0xFFFFFFFF;
	(pc) =	sbr.abs _section_cstart, $3  }
0xd8: {  	[dreg:$0x1] =	wrdreg $0xFFFFFFFF  }
0xd9: {  	_ =	task.clear_ibuf [dreg:s18], $0x2FFFF;
	_ =	strace $0x9FFFFFFF  }
0xda: {  	(tm) =	ssettm $0x7FFFFFFF  }
0xdb: {  	_ =	shalt  }
tec
execute0_lowered:
.L_overlay_start_1:
0x0: {  	(tag) =	ssettag $0x1  }
0x1: {  	s0 =	srdreg.scid;
	s1 =	stileid.u32  }
0x2: {  	s5 =	sand.u32 $0x1, s0;
	s24 =	sshll.u32 s1, $0x1  }
0x3: {  	s3 =	sor.u32 s5, s24  }
0x4: {  	v1 =	vlaneseq.u32;
	s0 =	smul.u32 $0x70, s3  }
0x5: {  	vm0 =	vmmov $0xffff;
	v11 =	vor.u32 $0x10, v1;
	s6 =	smul.u32 $0x60, s3  }
0x6: {  	v12 =	vor.u32 $0x20, v1;
	v15 =	vor.u32 $0x30, v1;
	v17 =	vor.u32 $0x40, v1;
	s1 =	sshll.u32 s3, $0x7;
	s4 =	sshll.u32 s3, $0x4;
	s7 =	sshll.u32 s3, $0x5  }
0x7: {  	s2 =	smul.u32 $0x50, s3;
	s16 =	sshll.u32 s3, $0x6;
	v6 =	vmov s1;
	v5 =	vor.u32 s4, v1;
	v14 =	vmov s7  }
0x8: {  	v18 =	vor.u32 s16, v1;
	v0 =	vmov s0;
	v2 =	vmov s6  }
0x9: {  	v4 =	vmov s2;
	v3 =	vshll.u32 v5, $0x3;
	v5 =	vshll.u32 v5, $0x4  }
0xa: {  	v7 =	vshrl.u32 v14, $0x9;
	v9 =	vor.u32 s2, v1;
	v6 =	vshrl.u32 v6, $0x9  }
0xb: {  	v15 =	vadd.s32 s2, v15;
	v19 =	vor.u32 $0x7, v5;
	v5 =	vor.u32 s7, v1  }
0xc: {  	v8 =	vsub.s32 $0x11, v7;
	v4 =	vshrl.u32 v4, $0x9;
	v9 =	vand.u32 $0x1FF, v9  }
0xd: {  	v5 =	vand.u32 $0x1EF, v5;
	v8 =	vmul.u32 v8, v7;
	v10 =	vsub.s32 $0x11, v4  }
0xe: {  	v7 =	vsub.s32 $0x8, v7;
	v10 =	vmul.u32 v10, v4;
	v4 =	vsub.s32 $0x8, v4  }
0xf: {  	v18 =	vand.u32 $0x1CF, v18;
	v5 =	vmul.u32 v7, v5;
	v4 =	vmul.u32 v9, v4  }
0x10: {  	v7 =	vshll.u32 v8, $0x8;
	v9 =	vadd.s32 s2, v11;
	v8 =	vshll.u32 v10, $0x8  }
0x11: {  	v5 =	vadd.s32 v7, v5;
	v7 =	vadd.s32 v8, v4;
	v8 =	vshrl.u32 v9, $0x9  }
0x12: {  	v4 =	vadd.s32 $0x6, v5;
	v5 =	vadd.s32 $0x3, v7;
	v7 =	vsub.s32 $0x11, v8  }
0x13: {  	v9 =	vand.u32 $0x1FF, v9;
	v7 =	vmul.u32 v7, v8;
	v8 =	vsub.s32 $0x8, v8  }
0x14: {  	v14 =	vor.u32 $0x10, v14;
	v3 =	vor.u32 $0x7, v3;
	v8 =	vmul.u32 v9, v8  }
0x15: {  	s0 =	smul.u32 $0x30, s3;
	v6 =	vsub.s32 $0x8, v6;
	v9 =	vadd.s32 s2, v12;
	v7 =	vshll.u32 v7, $0x8  }
0x16: {  	v14 =	vbroadcast v14, $0x0;
	v7 =	vadd.s32 v7, v8;
	v8 =	vshrl.u32 v9, $0x9  }
0x17: {  	v13 =	vmov s0;
	v6 =	vbroadcast v6, $0x0;
	v10 =	vsub.s32 $0x11, v8  }
0x18: {  	v9 =	vand.u32 $0x1FF, v9;
	v10 =	vmul.u32 v10, v8;
	v8 =	vsub.s32 $0x8, v8  }
0x19: {  	v23 =	vadd.s32 s0, v12;
	v8 =	vmul.u32 v9, v8;
	v9 =	vshrl.u32 v15, $0x9  }
0x1a: {  	v13 =	vshrl.u32 v13, $0x9;
	v10 =	vshll.u32 v10, $0x8;
	v16 =	vsub.s32 $0x11, v9  }
0x1b: {  	v8 =	vadd.s32 v10, v8;
	v10 =	vmul.u32 v16, v9;
	v16 =	vadd.s32 s2, v17  }
0x1c: {  	v15 =	vand.u32 $0x1FF, v15;
	v9 =	vsub.s32 $0x8, v9;
	v17 =	vshrl.u32 v16, $0x9  }
0x1d: {  	v9 =	vmul.u32 v15, v9;
	v16 =	vand.u32 $0x1FF, v16;
	v15 =	vsub.s32 $0x11, v17  }
0x1e: {  	v10 =	vshll.u32 v10, $0x8;
	v15 =	vmul.u32 v15, v17;
	v17 =	vsub.s32 $0x8, v17  }
0x1f: {  	v24 =	vsub.s32 $0x8, v13;
	v9 =	vadd.s32 v10, v9;
	v10 =	vmul.u32 v16, v17  }
0x20: {  	v7 =	vadd.s32 $0x3, v7;
	v16 =	vmov s16;
	v15 =	vshll.u32 v15, $0x8  }
0x21: {  	v17 =	vor.u32 $0x10, v16;
	v10 =	vadd.s32 v15, v10;
	v15 =	vshrl.u32 v16, $0x9  }
0x22: {  	v8 =	vadd.s32 $0x3, v8;
	v17 =	vbroadcast v17, $0x0;
	v20 =	vsub.s32 $0x11, v15  }
0x23: {  	v22 =	vor.u32 $0x20, v16;
	v20 =	vmul.u32 v20, v15;
	v15 =	vsub.s32 $0x8, v15  }
0x24: {  	s8 =	rddreg [dreg:$0x1];
	v15 =	vmul.u32 v15, v18;
	v18 =	vor.u32 v1, v17;
	v17 =	vshrl.u32 v17, $0x9  }
0x25: {  	s9 =	rddreg [dreg:$0x2];
	v9 =	vadd.s32 $0x3, v9;
	v22 =	vbroadcast v22, $0x0;
	v21 =	vsub.s32 $0x11, v17  }
0x26: {  	s10 =	rddreg [dreg:$0x3];
	v18 =	vand.u32 $0x1DF, v18;
	v21 =	vmul.u32 v21, v17;
	v17 =	vsub.s32 $0x8, v17  }
0x27: {  	s11 =	rddreg [dreg:$0x4];
	v16 =	vor.u32 $0x30, v16;
	v20 =	vshll.u32 v20, $0x8;
	v17 =	vmul.u32 v17, v18  }
0x28: {  	s12 =	rddreg [dreg:$0x5];
	v16 =	vbroadcast v16, $0x0;
	v15 =	vadd.s32 v20, v15;
	v18 =	vshll.u32 v21, $0x8  }
0x29: {  	s13 =	rddreg [dreg:$0x6];
	v20 =	vor.u32 v1, v22;
	v17 =	vadd.s32 v18, v17;
	v18 =	vshrl.u32 v22, $0x9  }
0x2a: {  	s14 =	rddreg [dreg:$0x7];
	v20 =	vand.u32 $0x1EF, v20;
	v21 =	vsub.s32 $0x11, v18;
	v22 =	vsub.s32 $0x8, v18  }
0x2b: {  	s15 =	rddreg [dreg:$0x9];
	v12 =	vadd.s32 $0x4, v17;
	v17 =	vor.u32 v1, v16;
	v16 =	vshrl.u32 v16, $0x9  }
0x2c: {  	s28 =	simm.s32 $0x3;
	s29 =	simm.s32 $0xD800;
	s30 =	simm.s32 $0xE000;
	v18 =	vmul.u32 v21, v18;
	v20 =	vmul.u32 v22, v20;
	v21 =	vor.u32 s0, v1  }
0x2d: {  	s31 =	simm.s32 $0xE800;
	s5 =	ssub.s32 $0x2, s5;
	s25 =	smul.u32 $0x600, s3;
	v22 =	vadd.s32 s0, v11;
	v11 =	vadd.s32 $0x4, v15;
	v17 =	vand.u32 $0x1FF, v17  }
0x2e: {  	s17 =	sshrl.u32 s5, $0x1;
	s26 =	sshll.u32 s3, $0x9;
	s19 =	smul.u32 $0xA00, s3;
	v21 =	vand.u32 $0x1FF, v21;
	v15 =	vshll.u32 v18, $0x8;
	v18 =	vsub.s32 $0x11, v16  }
0x2f: {  	s18 =	sshll.u32 s3, $0xA;
	s20 =	sshll.u32 s3, $0xB;
	s21 =	smul.u32 $0xE00, s3;
	v15 =	vadd.s32 v15, v20;
	v18 =	vmul.u32 v18, v16;
	v20 =	vsub.s32 $0x11, v13  }
0x30: {  	p0 =	sne.s32 s3, $0x0;
	s5 =	ssub.s32 s5, s17;
	s14 =	sadd.s32 s14, s26;
	v16 =	vsub.s32 $0x8, v16;
	v20 =	vmul.u32 v20, v13;
	v13 =	vadd.s32 $0x4, v15  }
0x31: {  	s13 =	sadd.s32 s13, s18;
	s6 =	simm.s32 $0x0;
	s7 =	rddreg [dreg:$0x0];
	v15 =	vmul.u32 v16, v17;
	v16 =	vmul.u32 v21, v24;
	v21 =	vshrl.u32 v23, $0x9  }
0x32: {  	s18 =	smul.u32 $0xC00, s3;
	s4 =	sadd.s32 s15, s4;
	[smem:$0x7FF] =	sst s6;
	v17 =	vshll.u32 v18, $0x8;
	v18 =	vshll.u32 v20, $0x8;
	v20 =	vshrl.u32 v22, $0x9  }
0x33: {  	s17 =	simm.s32 $0x6000;
	s12 =	sadd.s32 s12, s25;
	s2 =	rddreg [dreg:$0x8];
	v15 =	vadd.s32 v17, v15;
	v16 =	vadd.s32 v18, v16;
	v17 =	vsub.s32 $0x11, v20  }
0x34: {  	s22 =	sadd.s32 s10, s19;
	_ =	strace $0x80000047;
	[dreg:$0xd] =	wrdreg s14;
	v18 =	vand.u32 $0x1FF, v22;
	v22 =	vsub.s32 $0x11, v21;
	v17 =	vmul.u32 v17, v20  }
0x35: {  	s24 =	sadd.s32 s8, s21;
	s25 =	sshll.u32 s3, $0xC;
	[dreg:$0xe] =	wrdreg s13;
	v20 =	vsub.s32 $0x8, v20;
	v22 =	vmul.u32 v22, v21;
	v21 =	vsub.s32 $0x8, v21  }
0x36: {  	s26 =	smax.u32 s5, $0x1;
	s19 =	simm.s32 $0x1;
	[dreg:$0xf] =	wrdreg s4;
	v18 =	vmul.u32 v18, v20;
	v20 =	vand.u32 $0x1FF, v23;
	v23 =	vshrl.u32 v14, $0x9  }
0x37: {  	s21 =	simm.s32 $0xD000;
	s3 =	simm.s32 $0x19000;
	[dreg:$0x10] =	wrdreg s12;
	v14 =	vor.u32 v1, v14;
	v20 =	vmul.u32 v20, v21;
	v21 =	vsub.s32 $0x11, v23  }
0x38: {  	s5 =	simm.s32 $0x4;
	s23 =	sadd.s32 s9, s18;
	[dreg:$0x12] =	wrdreg s22;
	v62 =	vand.u32 $0x1FF, v14;
	v14 =	vadd.s32 $0x4, v15;
	v15 =	vadd.s32 $0x5, v16  }
0x39: {  	s8 =	simm.s32 $0x7;
	s10 =	simm.s32 $0x9;
	[dreg:$0x13] =	wrdreg s23;
	v17 =	vshll.u32 v17, $0x8;
	v21 =	vmul.u32 v21, v23;
	v23 =	vsub.s32 $0x8, v23  }
0x3a: {  	s18 =	simm.s32 $0x6;
	s9 =	simm.s32 $0x8;
	[dreg:$0x14] =	wrdreg s24;
	v22 =	vshll.u32 v22, $0x8;
	v16 =	vmul.u32 v23, v62;
	v23 =	vadd.s32 v17, v18  }
0x3b: {  	s4 =	sadd.s32 s11, s20;
	[dreg:$0x16] =	wrdreg s26;
	s22 =	simm.s32 $0x2;
	v20 =	vadd.s32 v22, v20;
	v18 =	vshrl.u32 v1, $0x3;
	v21 =	vshll.u32 v21, $0x8  }
0x3c: {  	s24 =	simm.s32 $0x7000;
	s26 =	simm.s32 $0x15000;
	s11 =	simm.s32 $0xA;
	v17 =	vor.u32 $0x8, v1;
	v21 =	vadd.s32 v21, v16;
	v16 =	vand.u32 $0x7, v1  }
0x3d: {  	s12 =	simm.s32 $0xB;
	s13 =	simm.s32 $0x0;
	[dreg:$0x11] =	wrdreg s4;
	v18 =	vmul.u32 $0x8, v18;
	v63 =	vperm.xlane v19, v17;
	v22 =	vperm.xlane v19, v16  }
0x3e: {  	s4 =	sadd.s32 s7, s25;
	s25 =	simm.s32 $0x7800;
	s7 =	simm.s32 $0x5;
	v10 =	vadd.s32 $0x3, v10;
	v20 =	vadd.s32 $0x5, v20;
	v19 =	vadd.s32 $0x5, v23  }
0x3f: {  	[dreg:$0x15] =	wrdreg s4;
	s4 =	simm.s32 $0xF000;
	s0 =	simm.s32 $0xF800;
	v21 =	vadd.s32 $0x6, v21;
	v23 =	vadd.s32 v18, v63;
	v22 =	vadd.s32 v18, v22  }
.LBB2_1:
0x40: {  	s14 =	rddreg [dreg:$0xd]  }
0x41: {  	[tilespmem:s6], [sflag:$0x1] =	stream.linear.gather [hbm4b:s14+s6], $0x1000, $0x38;
	[tilespmem:$0x1E500] =	vst v63  }
0x42: {  	s16 =	rddreg [dreg:$0xe]  }
0x43: {  	[tilespmem:s17], [sflag:$0x2] =	stream.linear.gather [hbm4b:s16+s6], $0x2000, $0x38;
	[tilespmem:$0x1E500] =	vst v63  }
0x44: {  	[tilespmem:$0x1E400] =	vst v6  }
0x45: {  	[tilespmem:$0x1E410] =	vst v6  }
0x46: {  	[tilespmem:$0x1E420] =	vst v6  }
0x47: {  	[tilespmem:$0x1E430] =	vst v6  }
0x48: {  	[tilespmem:$0x1E440] =	vst v6  }
0x49: {  	[tilespmem:$0x1E450] =	vst v6  }
0x4a: {  	[tilespmem:$0x1E460] =	vst v6  }
0x4b: {  	s20 =	rddreg [dreg:$0xf];
	s15 =	simm.s32 $0x1E400;
	[tilespmem:$0x1E470] =	vst v6  }
0x4c: {  	[hbm4b:s20+s6] =	stream.linear.scatter [tilespmem:s15], [sflag:$0xB], $0x80, $0x38;
	[tilespmem:$0x1E500] =	vst v63  }
0x4d: {  	s14 =	simm.s32 @!p0 $0x0;
	s16 =	rddreg [dreg:$0xa];
	s15 =	simm.s32 @!p0 $0x1E480;
	[tilespmem:$0x1E480] =	vst v1  }
0x4e: {  	[hbm4b:s16+s14] =	stream.linear.scatter @!p0 [tilespmem:s15], [sflag:$0xC], $0x8, $0x38;
	[tilespmem:$0x1E500] =	vst v63  }
0x4f: {  	s16 =	simm.s32 @!p0 $0xC  }
0x50: {  	_ =	swait.ge @!p0 [sflag:s16], $0x8  }
0x51: {  	s20 =	sor.u32 s1, s6;
	[sflag:s16] =	ssyncset.done @!p0 $0x0  }
0x52: {  	v24 =	vmov s20;
	[sflag:s16] =	ssyncadd.s32 @!p0 $0xFFFFFFF8  }
0x53: {  	v24 =	vshrl.u32 v24, $0x9;
	s23 =	rddreg [dreg:$0xb]  }
0x54: {  	v25 =	vor.u32 s20, v1;
	v26 =	vsub.s32 $0x11, v24;
	[hbm4b:s23+s14] =	stream.linear.scatter @!p0 [tilespmem:s15], [sflag:$0xC], $0x8, $0x38;
	[tilespmem:$0x1E500] =	vst v63  }
0x55: {  	v25 =	vand.u32 $0x1FF, v25;
	v26 =	vmul.u32 v26, v24;
	v24 =	vsub.s32 $0x8, v24;
	s23 =	simm.s32 $0x10  }
0x56: {  	v24 =	vmul.u32 v24, v25;
	s14 =	sor.u32 s1, s23  }
0x57: {  	v25 =	vshll.u32 v26, $0x8;
	v26 =	vmov s14  }
0x58: {  	v24 =	vadd.s32 v24, v25;
	_ =	swait.ge @!p0 [sflag:s16], $0x8;
	v25 =	vshrl.u32 v26, $0x9  }
0x59: {  	[sflag:s16] =	ssyncset.done @!p0 $0x0;
	v26 =	vor.u32 s14, v1;
	v27 =	vsub.s32 $0x11, v25  }
0x5a: {  	[sflag:s16] =	ssyncadd.s32 @!p0 $0xFFFFFFF8;
	s16 =	simm.s32 $0x1E000;
	v26 =	vand.u32 $0x1FF, v26;
	v28 =	vsub.s32 $0x8, v25;
	v25 =	vmul.u32 v27, v25  }
0x5b: {  	s14 =	simm.s32 $0x20;
	[tilespmem:s16+$0x0] =	vst v24;
	v24 =	vmul.u32 v28, v26  }
.LBB2_2:
0x5c: {  	s15 =	sor.u32 s1, s14;
	p1 =	sne.s32 s14, $0x70;
	s14 =	sadd.s32 $0x10, s14;
	v25 =	vshll.u32 v25, $0x8  }
.Ltmp0:
0x5d: {  	s16 =	sadd.s32 $0x10, s16;
	v26 =	vmov s15;
	v24 =	vadd.s32 v24, v25;
	(pc) =	sbr.rel @p1 .LBB2_2-.Ltmp0, $4  }
0x5e: {  	v26 =	vshrl.u32 v26, $0x9;
	[tilespmem:s16+$0x0] =	vst v24  }
0x5f: {  	v24 =	vor.u32 s15, v1;
	v25 =	vsub.s32 $0x11, v26  }
0x60: {  	v24 =	vand.u32 $0x1FF, v24;
	v25 =	vmul.u32 v25, v26;
	v26 =	vsub.s32 $0x8, v26  }
0x61: {  	v24 =	vmul.u32 v26, v24  }
0x62: {  	s15 =	simm.s32 $0x0  }
0x63: {  	v26 =	vadd.s32 s15, v0  }
0x64: {  	v26 =	vadd.s32 v1, v26  }
0x65: {  	v27 =	vshrl.u32 v26, $0x9  }
0x66: {  	v28 =	vsub.s32 $0x11, v27  }
0x67: {  	s14 =	simm.s32 $0x10;
	v26 =	vand.u32 $0x1FF, v26;
	v28 =	vmul.u32 v28, v27;
	v27 =	vsub.s32 $0x8, v27  }
0x68: {  	v26 =	vmul.u32 v26, v27;
	v27 =	vadd.s32 s14, v0  }
0x69: {  	v25 =	vshll.u32 v25, $0x8;
	v27 =	vadd.s32 v1, v27  }
0x6a: {  	s16 =	sadd.s32 $0x10, s16;
	v24 =	vadd.s32 v24, v25;
	v28 =	vshll.u32 v28, $0x8;
	v25 =	vshrl.u32 v27, $0x9  }
0x6b: {  	[tilespmem:s16+$0x0] =	vst v24;
	v26 =	vadd.s32 v28, v26;
	v27 =	vand.u32 $0x1FF, v27;
	v24 =	vsub.s32 $0x11, v25  }
0x6c: {  	s16 =	simm.s32 $0x1E080;
	v26 =	vadd.s32 $0x1, v26;
	v63 =	vsub.s32 $0x8, v25;
	v25 =	vmul.u32 v24, v25  }
0x6d: {  	s20 =	simm.s32 $0x20;
	[tilespmem:s16+$0x0] =	vst v26;
	v24 =	vmul.u32 v27, v63  }
.LBB2_4:
0x6e: {  	v26 =	vadd.s32 s20, v0;
	p1 =	sne.s32 s20, $0x60;
	s20 =	sadd.s32 $0x10, s20;
	v25 =	vshll.u32 v25, $0x8  }
.Ltmp1:
0x6f: {  	v26 =	vadd.s32 v1, v26;
	v24 =	vadd.s32 v25, v24;
	(pc) =	sbr.rel @p1 .LBB2_4-.Ltmp1, $4  }
0x70: {  	s16 =	sadd.s32 $0x10, s16;
	v27 =	vshrl.u32 v26, $0x9;
	v24 =	vadd.s32 $0x1, v24  }
0x71: {  	v25 =	vsub.s32 $0x11, v27;
	[tilespmem:s16+$0x0] =	vst v24  }
0x72: {  	v24 =	vand.u32 $0x1FF, v26;
	v26 =	vsub.s32 $0x8, v27;
	v25 =	vmul.u32 v25, v27  }
0x73: {  	v24 =	vmul.u32 v24, v26  }
0x74: {  	v26 =	vadd.s32 s15, v2  }
0x75: {  	v26 =	vadd.s32 v1, v26  }
0x76: {  	v27 =	vshrl.u32 v26, $0x9  }
0x77: {  	v28 =	vsub.s32 $0x11, v27  }
0x78: {  	v26 =	vand.u32 $0x1FF, v26;
	v28 =	vmul.u32 v28, v27;
	v27 =	vsub.s32 $0x8, v27  }
0x79: {  	v25 =	vshll.u32 v25, $0x8;
	v26 =	vmul.u32 v26, v27;
	v27 =	vadd.s32 s14, v2  }
0x7a: {  	v24 =	vadd.s32 v25, v24;
	v25 =	vadd.s32 v1, v27  }
0x7b: {  	s23 =	sadd.s32 $0x10, s16;
	v24 =	vadd.s32 $0x1, v24;
	v28 =	vshll.u32 v28, $0x8;
	v27 =	vshrl.u32 v25, $0x9  }
0x7c: {  	[tilespmem:s23+$0x0] =	vst v24;
	v26 =	vadd.s32 v28, v26;
	v25 =	vand.u32 $0x1FF, v25;
	v24 =	vsub.s32 $0x11, v27  }
0x7d: {  	s14 =	simm.s32 $0x1E100;
	v26 =	vadd.s32 $0x2, v26;
	v63 =	vsub.s32 $0x8, v27;
	v24 =	vmul.u32 v24, v27  }
0x7e: {  	s15 =	simm.s32 $0x20;
	[tilespmem:s14+$0x0] =	vst v26;
	v25 =	vmul.u32 v25, v63  }
.LBB2_6:
0x7f: {  	v26 =	vadd.s32 s15, v2;
	p1 =	sne.s32 s15, $0x50;
	s15 =	sadd.s32 $0x10, s15;
	v24 =	vshll.u32 v24, $0x8  }
.Ltmp2:
0x80: {  	v26 =	vadd.s32 v1, v26;
	v24 =	vadd.s32 v24, v25;
	(pc) =	sbr.rel @p1 .LBB2_6-.Ltmp2, $4  }
0x81: {  	s14 =	sadd.s32 $0x10, s14;
	v25 =	vshrl.u32 v26, $0x9;
	v24 =	vadd.s32 $0x2, v24  }
0x82: {  	v27 =	vsub.s32 $0x11, v25;
	[tilespmem:s14+$0x0] =	vst v24  }
0x83: {  	v26 =	vand.u32 $0x1FF, v26;
	v24 =	vmul.u32 v27, v25;
	v25 =	vsub.s32 $0x8, v25  }
0x84: {  	v25 =	vmul.u32 v26, v25  }
0x85: {  	v24 =	vshll.u32 v24, $0x8  }
0x86: {  	v24 =	vadd.s32 v24, v25  }
0x87: {  	s14 =	sadd.s32 $0x10, s14;
	v24 =	vadd.s32 $0x2, v24  }
0x88: {  	[tilespmem:s14+$0x0] =	vst v24  }
0x89: {  	[tilespmem:$0x1E180] =	vst v5  }
0x8a: {  	[tilespmem:$0x1E190] =	vst v7  }
0x8b: {  	[tilespmem:$0x1E1A0] =	vst v8  }
0x8c: {  	[tilespmem:$0x1E1B0] =	vst v9  }
0x8d: {  	[tilespmem:$0x1E1C0] =	vst v10  }
0x8e: {  	[tilespmem:$0x1E200] =	vst v11  }
0x8f: {  	[tilespmem:$0x1E210] =	vst v12  }
0x90: {  	[tilespmem:$0x1E220] =	vst v13  }
0x91: {  	[tilespmem:$0x1E230] =	vst v14  }
0x92: {  	[tilespmem:$0x1E280] =	vst v15  }
0x93: {  	[tilespmem:$0x1E290] =	vst v19  }
0x94: {  	[tilespmem:$0x1E2A0] =	vst v20  }
0x95: {  	[tilespmem:$0x1E300] =	vst v4  }
0x96: {  	[tilespmem:$0x1E310] =	vst v21  }
0x97: {  	[tilespmem:$0x1E380] =	vst v3  }
0x98: {  	_ =	swait.ge [sflag:s19], $0x1000  }
0x99: {  	[sflag:s19] =	ssyncset.done $0x0  }
0x9a: {  	[sflag:s19] =	ssyncadd.s32 $0xFFFFF000  }
0x9b: {  	[hbm4b:s2+s6] =	stream.indirect_vreg.scatter [tilespmem:s6], [sflag:$0x6], $0x80, v22, vm0, $0xb8;
	[tilespmem:$0x1E500] =	vst v63  }
0x9c: {  	s15 =	simm.s32 $0x800  }
0x9d: {  	[hbm4b:s2+s6] =	stream.indirect_vreg.scatter [tilespmem:s15], [sflag:$0x6], $0x80, v23, vm0, $0xb8;
	[tilespmem:$0x1E500] =	vst v63  }
0x9e: {  	s16 =	rddreg [dreg:$0x10]  }
0x9f: {  	[tilespmem:s21], [sflag:$0x3] =	stream.linear.gather [hbm4b:s16+s6], $0x3000, $0x38;
	[tilespmem:$0x1E500] =	vst v63  }
0xa0: {  	_ =	swait.ge [sflag:s22], $0x2000  }
0xa1: {  	[sflag:s22] =	ssyncset.done $0x0  }
0xa2: {  	[sflag:s22] =	ssyncadd.s32 $0xFFFFE000  }
0xa3: {  	v58 =	vld [tilespmem:$0x1E300];
	_ =	sdelay $0x4  }
0xa4: {  	v59 =	vshll.u32 v58, $0x1  }
0xa5: {  	v24 =	vand.u32 $0x7, v58;
	v25 =	vand.u32 $0xFFFFFFF0, v59  }
0xa6: {  	v24 =	vor.u32 v24, v25  }
0xa7: {  	v25 =	vperm.xlane v24, v16;
	_ =	sdelay $0x1  }
0xa8: {  	v24 =	vperm.xlane v24, v17;
	v25 =	vadd.s32 v18, v25;
	_ =	sdelay $0x1  }
0xa9: {  	v24 =	vadd.s32 v18, v24;
	_ =	sdelay $0x2  }
0xaa: {  	[hbm4b:s2+s6] =	stream.indirect_vreg.scatter [tilespmem:s17], [sflag:$0x7], $0x80, v25, vm0, $0xb8;
	[tilespmem:$0x1E500] =	vst v63  }
0xab: {  	s16 =	simm.s32 $0x6800  }
0xac: {  	[hbm4b:s2+s6] =	stream.indirect_vreg.scatter [tilespmem:s16], [sflag:$0x7], $0x80, v24, vm0, $0xb8;
	[tilespmem:$0x1E500] =	vst v63  }
0xad: {  	v24 =	vld [tilespmem:$0x1E310];
	_ =	sdelay $0x4  }
0xae: {  	v60 =	vshll.u32 v24, $0x1  }
0xaf: {  	v24 =	vand.u32 $0x7, v24;
	v25 =	vand.u32 $0xFFFFFFF0, v60  }
0xb0: {  	v24 =	vor.u32 v24, v25  }
0xb1: {  	v25 =	vperm.xlane v24, v16;
	_ =	sdelay $0x1  }
0xb2: {  	v24 =	vperm.xlane v24, v17;
	v25 =	vadd.s32 v18, v25;
	_ =	sdelay $0x1  }
0xb3: {  	v24 =	vadd.s32 v18, v24;
	_ =	sdelay $0x2  }
0xb4: {  	[hbm4b:s2+s6] =	stream.indirect_vreg.scatter [tilespmem:s24], [sflag:$0x7], $0x80, v25, vm0, $0xb8;
	[tilespmem:$0x1E500] =	vst v63  }
0xb5: {  	_ = 	snop  }
0xb6: {  	[hbm4b:s2+s6] =	stream.indirect_vreg.scatter [tilespmem:s25], [sflag:$0x7], $0x80, v24, vm0, $0xb8;
	[tilespmem:$0x1E500] =	vst v63  }
0xb7: {  	s20 =	rddreg [dreg:$0x11]  }
0xb8: {  	[tilespmem:s26], [sflag:$0x4] =	stream.linear.gather [hbm4b:s20+s6], $0x4000, $0x38;
	[tilespmem:$0x1E500] =	vst v63  }
0xb9: {  	_ =	swait.ge [sflag:s28], $0x3000  }
0xba: {  	[sflag:s28] =	ssyncset.done $0x0  }
0xbb: {  	[sflag:s28] =	ssyncadd.s32 $0xFFFFD000  }
0xbc: {  	v61 =	vld [tilespmem:$0x1E280];
	_ =	sdelay $0x4  }
0xbd: {  	v62 =	vshll.u32 v61, $0x1  }
0xbe: {  	v24 =	vand.u32 $0x7, v61;
	v25 =	vand.u32 $0xFFFFFFF0, v62  }
0xbf: {  	v24 =	vor.u32 v24, v25  }
0xc0: {  	v25 =	vperm.xlane v24, v16;
	_ =	sdelay $0x1  }
0xc1: {  	v24 =	vperm.xlane v24, v17;
	v25 =	vadd.s32 v18, v25;
	_ =	sdelay $0x1  }
0xc2: {  	v24 =	vadd.s32 v18, v24;
	_ =	sdelay $0x2  }
0xc3: {  	[hbm4b:s2+s6] =	stream.indirect_vreg.scatter [tilespmem:s21], [sflag:$0x8], $0x80, v25, vm0, $0xb8;
	[tilespmem:$0x1E500] =	vst v63  }
0xc4: {  	_ = 	snop  }
0xc5: {  	[hbm4b:s2+s6] =	stream.indirect_vreg.scatter [tilespmem:s29], [sflag:$0x8], $0x80, v24, vm0, $0xb8;
	[tilespmem:$0x1E500] =	vst v63  }
0xc6: {  	v24 =	vld [tilespmem:$0x1E290];
	_ =	sdelay $0x4  }
0xc7: {  	v63 =	vshll.u32 v24, $0x1  }
0xc8: {  	v24 =	vand.u32 $0x7, v24;
	v25 =	vand.u32 $0xFFFFFFF0, v63  }
0xc9: {  	v24 =	vor.u32 v24, v25  }
0xca: {  	v25 =	vperm.xlane v24, v16;
	_ =	sdelay $0x1  }
0xcb: {  	v24 =	vperm.xlane v24, v17;
	v25 =	vadd.s32 v18, v25;
	_ =	sdelay $0x1  }
0xcc: {  	v24 =	vadd.s32 v18, v24;
	_ =	sdelay $0x2  }
0xcd: {  	[hbm4b:s2+s6] =	stream.indirect_vreg.scatter [tilespmem:s30], [sflag:$0x8], $0x80, v25, vm0, $0xb8;
	[tilespmem:$0x1E500] =	vst v63  }
0xce: {  	_ = 	snop  }
0xcf: {  	[hbm4b:s2+s6] =	stream.indirect_vreg.scatter [tilespmem:s31], [sflag:$0x8], $0x80, v24, vm0, $0xb8;
	[tilespmem:$0x1E500] =	vst v63  }
0xd0: {  	v24 =	vld [tilespmem:$0x1E2A0];
	_ =	sdelay $0x4  }
0xd1: {  	v28 =	vshll.u32 v24, $0x1  }
0xd2: {  	v24 =	vand.u32 $0x7, v24;
	v25 =	vand.u32 $0xFFFFFFF0, v28  }
0xd3: {  	v24 =	vor.u32 v24, v25  }
0xd4: {  	v25 =	vperm.xlane v24, v16;
	_ =	sdelay $0x1  }
0xd5: {  	v24 =	vperm.xlane v24, v17;
	v25 =	vadd.s32 v18, v25;
	_ =	sdelay $0x1  }
0xd6: {  	v24 =	vadd.s32 v18, v24;
	_ =	sdelay $0x2  }
0xd7: {  	[hbm4b:s2+s6] =	stream.indirect_vreg.scatter [tilespmem:s4], [sflag:$0x8], $0x80, v25, vm0, $0xb8;
	[tilespmem:$0x1E500] =	vst v63  }
0xd8: {  	_ = 	snop  }
0xd9: {  	[hbm4b:s2+s6] =	stream.indirect_vreg.scatter [tilespmem:s0], [sflag:$0x8], $0x80, v24, vm0, $0xb8;
	[tilespmem:$0x1E500] =	vst v63  }
0xda: {  	s23 =	rddreg [dreg:$0x12]  }
0xdb: {  	[tilespmem:s3], [sflag:$0x5] =	stream.linear.gather [hbm4b:s23+s6], $0x5000, $0x38;
	[tilespmem:$0x1E500] =	vst v63  }
0xdc: {  	_ =	swait.ge [sflag:s5], $0x4000  }
0xdd: {  	[sflag:s5] =	ssyncset.done $0x0  }
0xde: {  	[sflag:s5] =	ssyncadd.s32 $0xFFFFC000  }
0xdf: {  	v29 =	vld [tilespmem:$0x1E200];
	_ =	sdelay $0x4  }
0xe0: {  	v30 =	vshll.u32 v29, $0x1  }
0xe1: {  	v24 =	vand.u32 $0x7, v29;
	v25 =	vand.u32 $0xFFFFFFF0, v30  }
0xe2: {  	v24 =	vor.u32 v24, v25  }
0xe3: {  	v25 =	vperm.xlane v24, v16;
	_ =	sdelay $0x1  }
0xe4: {  	v24 =	vperm.xlane v24, v17;
	v25 =	vadd.s32 v18, v25;
	_ =	sdelay $0x1  }
0xe5: {  	v24 =	vadd.s32 v18, v24;
	_ =	sdelay $0x2  }
0xe6: {  	[hbm4b:s2+s6] =	stream.indirect_vreg.scatter [tilespmem:s26], [sflag:$0x9], $0x80, v25, vm0, $0xb8;
	[tilespmem:$0x1E500] =	vst v63  }
0xe7: {  	s20 =	simm.s32 $0x15800  }
0xe8: {  	[hbm4b:s2+s6] =	stream.indirect_vreg.scatter [tilespmem:s20], [sflag:$0x9], $0x80, v24, vm0, $0xb8;
	[tilespmem:$0x1E500] =	vst v63  }
0xe9: {  	v24 =	vld [tilespmem:$0x1E210];
	_ =	sdelay $0x4  }
0xea: {  	v31 =	vshll.u32 v24, $0x1  }
0xeb: {  	v24 =	vand.u32 $0x7, v24;
	v25 =	vand.u32 $0xFFFFFFF0, v31  }
0xec: {  	v24 =	vor.u32 v24, v25  }
0xed: {  	v25 =	vperm.xlane v24, v16;
	_ =	sdelay $0x1  }
0xee: {  	v24 =	vperm.xlane v24, v17;
	v25 =	vadd.s32 v18, v25;
	_ =	sdelay $0x1  }
0xef: {  	v24 =	vadd.s32 v18, v24;
	_ =	sdelay $0x1  }
0xf0: {  	s23 =	simm.s32 $0x16000  }
0xf1: {  	[hbm4b:s2+s6] =	stream.indirect_vreg.scatter [tilespmem:s23], [sflag:$0x9], $0x80, v25, vm0, $0xb8;
	[tilespmem:$0x1E500] =	vst v63  }
0xf2: {  	s20 =	simm.s32 $0x16800  }
0xf3: {  	[hbm4b:s2+s6] =	stream.indirect_vreg.scatter [tilespmem:s20], [sflag:$0x9], $0x80, v24, vm0, $0xb8;
	[tilespmem:$0x1E500] =	vst v63  }
0xf4: {  	v24 =	vld [tilespmem:$0x1E220];
	_ =	sdelay $0x4  }
0xf5: {  	v32 =	vshll.u32 v24, $0x1  }
0xf6: {  	v24 =	vand.u32 $0x7, v24;
	v25 =	vand.u32 $0xFFFFFFF0, v32  }
0xf7: {  	v24 =	vor.u32 v24, v25  }
0xf8: {  	v25 =	vperm.xlane v24, v16;
	_ =	sdelay $0x1  }
0xf9: {  	v24 =	vperm.xlane v24, v17;
	v25 =	vadd.s32 v18, v25;
	_ =	sdelay $0x1  }
0xfa: {  	v24 =	vadd.s32 v18, v24;
	_ =	sdelay $0x1  }
0xfb: {  	s23 =	simm.s32 $0x17000  }
0xfc: {  	[hbm4b:s2+s6] =	stream.indirect_vreg.scatter [tilespmem:s23], [sflag:$0x9], $0x80, v25, vm0, $0xb8;
	[tilespmem:$0x1E500] =	vst v63  }
0xfd: {  	s20 =	simm.s32 $0x17800  }
0xfe: {  	[hbm4b:s2+s6] =	stream.indirect_vreg.scatter [tilespmem:s20], [sflag:$0x9], $0x80, v24, vm0, $0xb8;
	[tilespmem:$0x1E500] =	vst v63  }
0xff: {  	v24 =	vld [tilespmem:$0x1E230];
	_ =	sdelay $0x4  }
0x100: {  	v33 =	vshll.u32 v24, $0x1  }
0x101: {  	v24 =	vand.u32 $0x7, v24;
	v25 =	vand.u32 $0xFFFFFFF0, v33  }
0x102: {  	v24 =	vor.u32 v24, v25  }
0x103: {  	v25 =	vperm.xlane v24, v16;
	_ =	sdelay $0x1  }
0x104: {  	v24 =	vperm.xlane v24, v17;
	v25 =	vadd.s32 v18, v25;
	_ =	sdelay $0x1  }
0x105: {  	v24 =	vadd.s32 v18, v24;
	_ =	sdelay $0x1  }
0x106: {  	s23 =	simm.s32 $0x18000  }
0x107: {  	[hbm4b:s2+s6] =	stream.indirect_vreg.scatter [tilespmem:s23], [sflag:$0x9], $0x80, v25, vm0, $0xb8;
	[tilespmem:$0x1E500] =	vst v63  }
0x108: {  	s20 =	simm.s32 $0x18800  }
0x109: {  	[hbm4b:s2+s6] =	stream.indirect_vreg.scatter [tilespmem:s20], [sflag:$0x9], $0x80, v24, vm0, $0xb8;
	[tilespmem:$0x1E500] =	vst v63  }
0x10a: {  	_ =	swait.ge [sflag:s18], $0x1000  }
0x10b: {  	[sflag:s18] =	ssyncset.done $0x0  }
0x10c: {  	s23 =	rddreg [dreg:$0x13];
	[sflag:s18] =	ssyncadd.s32 $0xFFFFF000  }
0x10d: {  	[tilespmem:s6], [sflag:$0x1] =	stream.linear.gather [hbm4b:s23+s6], $0x6000, $0x38;
	[tilespmem:$0x1E500] =	vst v63  }
0x10e: {  	_ =	swait.ge [sflag:s7], $0x5000  }
0x10f: {  	[sflag:s7] =	ssyncset.done $0x0  }
0x110: {  	[sflag:s7] =	ssyncadd.s32 $0xFFFFB000  }
0x111: {  	v34 =	vld [tilespmem:$0x1E180];
	_ =	sdelay $0x4  }
0x112: {  	v35 =	vshll.u32 v34, $0x1  }
0x113: {  	v24 =	vand.u32 $0x7, v34;
	v25 =	vand.u32 $0xFFFFFFF0, v35  }
0x114: {  	v24 =	vor.u32 v24, v25  }
0x115: {  	v25 =	vperm.xlane v24, v16;
	_ =	sdelay $0x1  }
0x116: {  	v24 =	vperm.xlane v24, v17;
	v25 =	vadd.s32 v18, v25;
	_ =	sdelay $0x1  }
0x117: {  	v24 =	vadd.s32 v18, v24;
	_ =	sdelay $0x2  }
0x118: {  	[hbm4b:s2+s6] =	stream.indirect_vreg.scatter [tilespmem:s3], [sflag:$0xA], $0x80, v25, vm0, $0xb8;
	[tilespmem:$0x1E500] =	vst v63  }
0x119: {  	s20 =	simm.s32 $0x19800  }
0x11a: {  	[hbm4b:s2+s6] =	stream.indirect_vreg.scatter [tilespmem:s20], [sflag:$0xA], $0x80, v24, vm0, $0xb8;
	[tilespmem:$0x1E500] =	vst v63  }
0x11b: {  	v24 =	vld [tilespmem:$0x1E190];
	_ =	sdelay $0x4  }
0x11c: {  	v36 =	vshll.u32 v24, $0x1  }
0x11d: {  	v24 =	vand.u32 $0x7, v24;
	v25 =	vand.u32 $0xFFFFFFF0, v36  }
0x11e: {  	v24 =	vor.u32 v24, v25  }
0x11f: {  	v25 =	vperm.xlane v24, v16;
	_ =	sdelay $0x1  }
0x120: {  	v24 =	vperm.xlane v24, v17;
	v25 =	vadd.s32 v18, v25;
	_ =	sdelay $0x1  }
0x121: {  	v24 =	vadd.s32 v18, v24;
	_ =	sdelay $0x1  }
0x122: {  	s23 =	simm.s32 $0x1A000  }
0x123: {  	[hbm4b:s2+s6] =	stream.indirect_vreg.scatter [tilespmem:s23], [sflag:$0xA], $0x80, v25, vm0, $0xb8;
	[tilespmem:$0x1E500] =	vst v63  }
0x124: {  	s20 =	simm.s32 $0x1A800  }
0x125: {  	[hbm4b:s2+s6] =	stream.indirect_vreg.scatter [tilespmem:s20], [sflag:$0xA], $0x80, v24, vm0, $0xb8;
	[tilespmem:$0x1E500] =	vst v63  }
0x126: {  	v24 =	vld [tilespmem:$0x1E1A0];
	_ =	sdelay $0x4  }
0x127: {  	v37 =	vshll.u32 v24, $0x1  }
0x128: {  	v24 =	vand.u32 $0x7, v24;
	v25 =	vand.u32 $0xFFFFFFF0, v37  }
0x129: {  	v24 =	vor.u32 v24, v25  }
0x12a: {  	v25 =	vperm.xlane v24, v16;
	_ =	sdelay $0x1  }
0x12b: {  	v24 =	vperm.xlane v24, v17;
	v25 =	vadd.s32 v18, v25;
	_ =	sdelay $0x1  }
0x12c: {  	v24 =	vadd.s32 v18, v24;
	_ =	sdelay $0x1  }
0x12d: {  	s23 =	simm.s32 $0x1B000  }
0x12e: {  	[hbm4b:s2+s6] =	stream.indirect_vreg.scatter [tilespmem:s23], [sflag:$0xA], $0x80, v25, vm0, $0xb8;
	[tilespmem:$0x1E500] =	vst v63  }
0x12f: {  	s20 =	simm.s32 $0x1B800  }
0x130: {  	[hbm4b:s2+s6] =	stream.indirect_vreg.scatter [tilespmem:s20], [sflag:$0xA], $0x80, v24, vm0, $0xb8;
	[tilespmem:$0x1E500] =	vst v63  }
0x131: {  	v24 =	vld [tilespmem:$0x1E1B0];
	_ =	sdelay $0x4  }
0x132: {  	v38 =	vshll.u32 v24, $0x1  }
0x133: {  	v24 =	vand.u32 $0x7, v24;
	v25 =	vand.u32 $0xFFFFFFF0, v38  }
0x134: {  	v24 =	vor.u32 v24, v25  }
0x135: {  	v25 =	vperm.xlane v24, v16;
	_ =	sdelay $0x1  }
0x136: {  	v24 =	vperm.xlane v24, v17;
	v25 =	vadd.s32 v18, v25;
	_ =	sdelay $0x1  }
0x137: {  	v24 =	vadd.s32 v18, v24;
	_ =	sdelay $0x1  }
0x138: {  	s23 =	simm.s32 $0x1C000  }
0x139: {  	[hbm4b:s2+s6] =	stream.indirect_vreg.scatter [tilespmem:s23], [sflag:$0xA], $0x80, v25, vm0, $0xb8;
	[tilespmem:$0x1E500] =	vst v63  }
0x13a: {  	s20 =	simm.s32 $0x1C800  }
0x13b: {  	[hbm4b:s2+s6] =	stream.indirect_vreg.scatter [tilespmem:s20], [sflag:$0xA], $0x80, v24, vm0, $0xb8;
	[tilespmem:$0x1E500] =	vst v63  }
0x13c: {  	v24 =	vld [tilespmem:$0x1E1C0];
	_ =	sdelay $0x4  }
0x13d: {  	v39 =	vshll.u32 v24, $0x1  }
0x13e: {  	v24 =	vand.u32 $0x7, v24;
	v25 =	vand.u32 $0xFFFFFFF0, v39  }
0x13f: {  	v24 =	vor.u32 v24, v25  }
0x140: {  	v25 =	vperm.xlane v24, v16;
	_ =	sdelay $0x1  }
0x141: {  	v24 =	vperm.xlane v24, v17;
	v25 =	vadd.s32 v18, v25;
	_ =	sdelay $0x1  }
0x142: {  	v24 =	vadd.s32 v18, v24;
	_ =	sdelay $0x1  }
0x143: {  	s23 =	simm.s32 $0x1D000  }
0x144: {  	[hbm4b:s2+s6] =	stream.indirect_vreg.scatter [tilespmem:s23], [sflag:$0xA], $0x80, v25, vm0, $0xb8;
	[tilespmem:$0x1E500] =	vst v63  }
0x145: {  	s20 =	simm.s32 $0x1D800  }
0x146: {  	[hbm4b:s2+s6] =	stream.indirect_vreg.scatter [tilespmem:s20], [sflag:$0xA], $0x80, v24, vm0, $0xb8;
	[tilespmem:$0x1E500] =	vst v63  }
0x147: {  	_ =	swait.ge [sflag:s8], $0x2000  }
0x148: {  	[sflag:s8] =	ssyncset.done $0x0  }
0x149: {  	s23 =	rddreg [dreg:$0x14];
	[sflag:s8] =	ssyncadd.s32 $0xFFFFE000  }
0x14a: {  	[tilespmem:s17], [sflag:$0x2] =	stream.linear.gather [hbm4b:s23+s6], $0x7000, $0x38;
	[tilespmem:$0x1E500] =	vst v63  }
0x14b: {  	_ =	swait.ge [sflag:s19], $0x6000  }
0x14c: {  	[sflag:s19] =	ssyncset.done $0x0  }
0x14d: {  	[sflag:s19] =	ssyncadd.s32 $0xFFFFA000  }
0x14e: {  	v40 =	vld [tilespmem:$0x1E100];
	_ =	sdelay $0x4  }
0x14f: {  	v41 =	vshll.u32 v40, $0x1  }
0x150: {  	v24 =	vand.u32 $0x7, v40;
	v25 =	vand.u32 $0xFFFFFFF0, v41  }
0x151: {  	v24 =	vor.u32 v24, v25  }
0x152: {  	v25 =	vperm.xlane v24, v16;
	_ =	sdelay $0x1  }
0x153: {  	v24 =	vperm.xlane v24, v17;
	v25 =	vadd.s32 v18, v25;
	_ =	sdelay $0x1  }
0x154: {  	v24 =	vadd.s32 v18, v24;
	_ =	sdelay $0x2  }
0x155: {  	[hbm4b:s2+s6] =	stream.indirect_vreg.scatter [tilespmem:s6], [sflag:$0x6], $0x80, v25, vm0, $0xb8;
	[tilespmem:$0x1E500] =	vst v63  }
0x156: {  	_ = 	snop  }
0x157: {  	[hbm4b:s2+s6] =	stream.indirect_vreg.scatter [tilespmem:s15], [sflag:$0x6], $0x80, v24, vm0, $0xb8;
	[tilespmem:$0x1E500] =	vst v63  }
0x158: {  	v24 =	vld [tilespmem:$0x1E110];
	_ =	sdelay $0x4  }
0x159: {  	v42 =	vshll.u32 v24, $0x1  }
0x15a: {  	v24 =	vand.u32 $0x7, v24;
	v25 =	vand.u32 $0xFFFFFFF0, v42  }
0x15b: {  	v24 =	vor.u32 v24, v25  }
0x15c: {  	v25 =	vperm.xlane v24, v16;
	_ =	sdelay $0x1  }
0x15d: {  	v24 =	vperm.xlane v24, v17;
	v25 =	vadd.s32 v18, v25;
	_ =	sdelay $0x1  }
0x15e: {  	v24 =	vadd.s32 v18, v24;
	_ =	sdelay $0x1  }
0x15f: {  	s15 =	simm.s32 $0x1000  }
0x160: {  	[hbm4b:s2+s6] =	stream.indirect_vreg.scatter [tilespmem:s15], [sflag:$0x6], $0x80, v25, vm0, $0xb8;
	[tilespmem:$0x1E500] =	vst v63  }
0x161: {  	s20 =	simm.s32 $0x1800  }
0x162: {  	[hbm4b:s2+s6] =	stream.indirect_vreg.scatter [tilespmem:s20], [sflag:$0x6], $0x80, v24, vm0, $0xb8;
	[tilespmem:$0x1E500] =	vst v63  }
0x163: {  	v24 =	vld [tilespmem:$0x1E120];
	_ =	sdelay $0x4  }
0x164: {  	v43 =	vshll.u32 v24, $0x1  }
0x165: {  	v24 =	vand.u32 $0x7, v24;
	v25 =	vand.u32 $0xFFFFFFF0, v43  }
0x166: {  	v24 =	vor.u32 v24, v25  }
0x167: {  	v25 =	vperm.xlane v24, v16;
	_ =	sdelay $0x1  }
0x168: {  	v24 =	vperm.xlane v24, v17;
	v25 =	vadd.s32 v18, v25;
	_ =	sdelay $0x1  }
0x169: {  	v24 =	vadd.s32 v18, v24;
	_ =	sdelay $0x1  }
0x16a: {  	s23 =	simm.s32 $0x2000  }
0x16b: {  	[hbm4b:s2+s6] =	stream.indirect_vreg.scatter [tilespmem:s23], [sflag:$0x6], $0x80, v25, vm0, $0xb8;
	[tilespmem:$0x1E500] =	vst v63  }
0x16c: {  	s15 =	simm.s32 $0x2800  }
0x16d: {  	[hbm4b:s2+s6] =	stream.indirect_vreg.scatter [tilespmem:s15], [sflag:$0x6], $0x80, v24, vm0, $0xb8;
	[tilespmem:$0x1E500] =	vst v63  }
0x16e: {  	v24 =	vld [tilespmem:$0x1E130];
	_ =	sdelay $0x4  }
0x16f: {  	v44 =	vshll.u32 v24, $0x1  }
0x170: {  	v24 =	vand.u32 $0x7, v24;
	v25 =	vand.u32 $0xFFFFFFF0, v44  }
0x171: {  	v24 =	vor.u32 v24, v25  }
0x172: {  	v25 =	vperm.xlane v24, v16;
	_ =	sdelay $0x1  }
0x173: {  	v24 =	vperm.xlane v24, v17;
	v25 =	vadd.s32 v18, v25;
	_ =	sdelay $0x1  }
0x174: {  	v24 =	vadd.s32 v18, v24;
	_ =	sdelay $0x1  }
0x175: {  	s20 =	simm.s32 $0x3000  }
0x176: {  	[hbm4b:s2+s6] =	stream.indirect_vreg.scatter [tilespmem:s20], [sflag:$0x6], $0x80, v25, vm0, $0xb8;
	[tilespmem:$0x1E500] =	vst v63  }
0x177: {  	s23 =	simm.s32 $0x3800  }
0x178: {  	[hbm4b:s2+s6] =	stream.indirect_vreg.scatter [tilespmem:s23], [sflag:$0x6], $0x80, v24, vm0, $0xb8;
	[tilespmem:$0x1E500] =	vst v63  }
0x179: {  	v24 =	vld [tilespmem:$0x1E140];
	_ =	sdelay $0x4  }
0x17a: {  	v45 =	vshll.u32 v24, $0x1  }
0x17b: {  	v24 =	vand.u32 $0x7, v24;
	v25 =	vand.u32 $0xFFFFFFF0, v45  }
0x17c: {  	v24 =	vor.u32 v24, v25  }
0x17d: {  	v25 =	vperm.xlane v24, v16;
	_ =	sdelay $0x1  }
0x17e: {  	v24 =	vperm.xlane v24, v17;
	v25 =	vadd.s32 v18, v25;
	_ =	sdelay $0x1  }
0x17f: {  	v24 =	vadd.s32 v18, v24;
	_ =	sdelay $0x1  }
0x180: {  	s15 =	simm.s32 $0x4000  }
0x181: {  	[hbm4b:s2+s6] =	stream.indirect_vreg.scatter [tilespmem:s15], [sflag:$0x6], $0x80, v25, vm0, $0xb8;
	[tilespmem:$0x1E500] =	vst v63  }
0x182: {  	s20 =	simm.s32 $0x4800  }
0x183: {  	[hbm4b:s2+s6] =	stream.indirect_vreg.scatter [tilespmem:s20], [sflag:$0x6], $0x80, v24, vm0, $0xb8;
	[tilespmem:$0x1E500] =	vst v63  }
0x184: {  	v24 =	vld [tilespmem:$0x1E150];
	_ =	sdelay $0x4  }
0x185: {  	v46 =	vshll.u32 v24, $0x1  }
0x186: {  	v24 =	vand.u32 $0x7, v24;
	v25 =	vand.u32 $0xFFFFFFF0, v46  }
0x187: {  	v24 =	vor.u32 v24, v25  }
0x188: {  	v25 =	vperm.xlane v24, v16;
	_ =	sdelay $0x1  }
0x189: {  	v24 =	vperm.xlane v24, v17;
	v25 =	vadd.s32 v18, v25;
	_ =	sdelay $0x1  }
0x18a: {  	v24 =	vadd.s32 v18, v24;
	_ =	sdelay $0x1  }
0x18b: {  	s23 =	simm.s32 $0x5000  }
0x18c: {  	[hbm4b:s2+s6] =	stream.indirect_vreg.scatter [tilespmem:s23], [sflag:$0x6], $0x80, v25, vm0, $0xb8;
	[tilespmem:$0x1E500] =	vst v63  }
0x18d: {  	s15 =	simm.s32 $0x5800  }
0x18e: {  	[hbm4b:s2+s6] =	stream.indirect_vreg.scatter [tilespmem:s15], [sflag:$0x6], $0x80, v24, vm0, $0xb8;
	[tilespmem:$0x1E500] =	vst v63  }
0x18f: {  	_ =	swait.ge [sflag:s9], $0x3000  }
0x190: {  	[sflag:s9] =	ssyncset.done $0x0  }
0x191: {  	s20 =	rddreg [dreg:$0x15];
	[sflag:s9] =	ssyncadd.s32 $0xFFFFD000  }
0x192: {  	[tilespmem:s21], [sflag:$0x3] =	stream.linear.gather [hbm4b:s20+s6], $0x8000, $0x38;
	[tilespmem:$0x1E500] =	vst v63  }
0x193: {  	_ =	swait.ge [sflag:s22], $0x7000  }
0x194: {  	[sflag:s22] =	ssyncset.done $0x0  }
0x195: {  	[sflag:s22] =	ssyncadd.s32 $0xFFFF9000  }
0x196: {  	v47 =	vld [tilespmem:$0x1E080];
	_ =	sdelay $0x4  }
0x197: {  	v48 =	vshll.u32 v47, $0x1  }
0x198: {  	v24 =	vand.u32 $0x7, v47;
	v25 =	vand.u32 $0xFFFFFFF0, v48  }
0x199: {  	v24 =	vor.u32 v24, v25  }
0x19a: {  	v25 =	vperm.xlane v24, v16;
	_ =	sdelay $0x1  }
0x19b: {  	v24 =	vperm.xlane v24, v17;
	v25 =	vadd.s32 v18, v25;
	_ =	sdelay $0x1  }
0x19c: {  	v24 =	vadd.s32 v18, v24;
	_ =	sdelay $0x2  }
0x19d: {  	[hbm4b:s2+s6] =	stream.indirect_vreg.scatter [tilespmem:s17], [sflag:$0x7], $0x80, v25, vm0, $0xb8;
	[tilespmem:$0x1E500] =	vst v63  }
0x19e: {  	_ = 	snop  }
0x19f: {  	[hbm4b:s2+s6] =	stream.indirect_vreg.scatter [tilespmem:s16], [sflag:$0x7], $0x80, v24, vm0, $0xb8;
	[tilespmem:$0x1E500] =	vst v63  }
0x1a0: {  	v24 =	vld [tilespmem:$0x1E090];
	_ =	sdelay $0x4  }
0x1a1: {  	v49 =	vshll.u32 v24, $0x1  }
0x1a2: {  	v24 =	vand.u32 $0x7, v24;
	v25 =	vand.u32 $0xFFFFFFF0, v49  }
0x1a3: {  	v24 =	vor.u32 v24, v25  }
0x1a4: {  	v25 =	vperm.xlane v24, v16;
	_ =	sdelay $0x1  }
0x1a5: {  	v24 =	vperm.xlane v24, v17;
	v25 =	vadd.s32 v18, v25;
	_ =	sdelay $0x1  }
0x1a6: {  	v24 =	vadd.s32 v18, v24;
	_ =	sdelay $0x2  }
0x1a7: {  	[hbm4b:s2+s6] =	stream.indirect_vreg.scatter [tilespmem:s24], [sflag:$0x7], $0x80, v25, vm0, $0xb8;
	[tilespmem:$0x1E500] =	vst v63  }
0x1a8: {  	_ = 	snop  }
0x1a9: {  	[hbm4b:s2+s6] =	stream.indirect_vreg.scatter [tilespmem:s25], [sflag:$0x7], $0x80, v24, vm0, $0xb8;
	[tilespmem:$0x1E500] =	vst v63  }
0x1aa: {  	v24 =	vld [tilespmem:$0x1E0A0];
	_ =	sdelay $0x4  }
0x1ab: {  	v50 =	vshll.u32 v24, $0x1  }
0x1ac: {  	v24 =	vand.u32 $0x7, v24;
	v25 =	vand.u32 $0xFFFFFFF0, v50  }
0x1ad: {  	v24 =	vor.u32 v24, v25  }
0x1ae: {  	v25 =	vperm.xlane v24, v16;
	_ =	sdelay $0x1  }
0x1af: {  	v24 =	vperm.xlane v24, v17;
	v25 =	vadd.s32 v18, v25;
	_ =	sdelay $0x1  }
0x1b0: {  	v24 =	vadd.s32 v18, v24;
	_ =	sdelay $0x1  }
0x1b1: {  	s23 =	simm.s32 $0x8000  }
0x1b2: {  	[hbm4b:s2+s6] =	stream.indirect_vreg.scatter [tilespmem:s23], [sflag:$0x7], $0x80, v25, vm0, $0xb8;
	[tilespmem:$0x1E500] =	vst v63  }
0x1b3: {  	s15 =	simm.s32 $0x8800  }
0x1b4: {  	[hbm4b:s2+s6] =	stream.indirect_vreg.scatter [tilespmem:s15], [sflag:$0x7], $0x80, v24, vm0, $0xb8;
	[tilespmem:$0x1E500] =	vst v63  }
0x1b5: {  	v24 =	vld [tilespmem:$0x1E0B0];
	_ =	sdelay $0x4  }
0x1b6: {  	v51 =	vshll.u32 v24, $0x1  }
0x1b7: {  	v24 =	vand.u32 $0x7, v24;
	v25 =	vand.u32 $0xFFFFFFF0, v51  }
0x1b8: {  	v24 =	vor.u32 v24, v25  }
0x1b9: {  	v25 =	vperm.xlane v24, v16;
	_ =	sdelay $0x1  }
0x1ba: {  	v24 =	vperm.xlane v24, v17;
	v25 =	vadd.s32 v18, v25;
	_ =	sdelay $0x1  }
0x1bb: {  	v24 =	vadd.s32 v18, v24;
	_ =	sdelay $0x1  }
0x1bc: {  	s16 =	simm.s32 $0x9000  }
0x1bd: {  	[hbm4b:s2+s6] =	stream.indirect_vreg.scatter [tilespmem:s16], [sflag:$0x7], $0x80, v25, vm0, $0xb8;
	[tilespmem:$0x1E500] =	vst v63  }
0x1be: {  	s20 =	simm.s32 $0x9800  }
0x1bf: {  	[hbm4b:s2+s6] =	stream.indirect_vreg.scatter [tilespmem:s20], [sflag:$0x7], $0x80, v24, vm0, $0xb8;
	[tilespmem:$0x1E500] =	vst v63  }
0x1c0: {  	v24 =	vld [tilespmem:$0x1E0C0];
	_ =	sdelay $0x4  }
0x1c1: {  	v52 =	vshll.u32 v24, $0x1  }
0x1c2: {  	v24 =	vand.u32 $0x7, v24;
	v25 =	vand.u32 $0xFFFFFFF0, v52  }
0x1c3: {  	v24 =	vor.u32 v24, v25  }
0x1c4: {  	v25 =	vperm.xlane v24, v16;
	_ =	sdelay $0x1  }
0x1c5: {  	v24 =	vperm.xlane v24, v17;
	v25 =	vadd.s32 v18, v25;
	_ =	sdelay $0x1  }
0x1c6: {  	v24 =	vadd.s32 v18, v24;
	_ =	sdelay $0x1  }
0x1c7: {  	s23 =	simm.s32 $0xA000  }
0x1c8: {  	[hbm4b:s2+s6] =	stream.indirect_vreg.scatter [tilespmem:s23], [sflag:$0x7], $0x80, v25, vm0, $0xb8;
	[tilespmem:$0x1E500] =	vst v63  }
0x1c9: {  	s15 =	simm.s32 $0xA800  }
0x1ca: {  	[hbm4b:s2+s6] =	stream.indirect_vreg.scatter [tilespmem:s15], [sflag:$0x7], $0x80, v24, vm0, $0xb8;
	[tilespmem:$0x1E500] =	vst v63  }
0x1cb: {  	v24 =	vld [tilespmem:$0x1E0D0];
	_ =	sdelay $0x4  }
0x1cc: {  	v53 =	vshll.u32 v24, $0x1  }
0x1cd: {  	v24 =	vand.u32 $0x7, v24;
	v25 =	vand.u32 $0xFFFFFFF0, v53  }
0x1ce: {  	v24 =	vor.u32 v24, v25  }
0x1cf: {  	v25 =	vperm.xlane v24, v16;
	_ =	sdelay $0x1  }
0x1d0: {  	v24 =	vperm.xlane v24, v17;
	v25 =	vadd.s32 v18, v25;
	_ =	sdelay $0x1  }
0x1d1: {  	v24 =	vadd.s32 v18, v24;
	_ =	sdelay $0x1  }
0x1d2: {  	s16 =	simm.s32 $0xB000  }
0x1d3: {  	[hbm4b:s2+s6] =	stream.indirect_vreg.scatter [tilespmem:s16], [sflag:$0x7], $0x80, v25, vm0, $0xb8;
	[tilespmem:$0x1E500] =	vst v63  }
0x1d4: {  	s20 =	simm.s32 $0xB800  }
0x1d5: {  	[hbm4b:s2+s6] =	stream.indirect_vreg.scatter [tilespmem:s20], [sflag:$0x7], $0x80, v24, vm0, $0xb8;
	[tilespmem:$0x1E500] =	vst v63  }
0x1d6: {  	v24 =	vld [tilespmem:$0x1E0E0];
	_ =	sdelay $0x4  }
0x1d7: {  	v54 =	vshll.u32 v24, $0x1  }
0x1d8: {  	v24 =	vand.u32 $0x7, v24;
	v25 =	vand.u32 $0xFFFFFFF0, v54  }
0x1d9: {  	v24 =	vor.u32 v24, v25  }
0x1da: {  	v25 =	vperm.xlane v24, v16;
	_ =	sdelay $0x1  }
0x1db: {  	v24 =	vperm.xlane v24, v17;
	v25 =	vadd.s32 v18, v25;
	_ =	sdelay $0x1  }
0x1dc: {  	v24 =	vadd.s32 v18, v24;
	_ =	sdelay $0x1  }
0x1dd: {  	s23 =	simm.s32 $0xC000  }
0x1de: {  	[hbm4b:s2+s6] =	stream.indirect_vreg.scatter [tilespmem:s23], [sflag:$0x7], $0x80, v25, vm0, $0xb8;
	[tilespmem:$0x1E500] =	vst v63  }
0x1df: {  	s15 =	simm.s32 $0xC800  }
0x1e0: {  	[hbm4b:s2+s6] =	stream.indirect_vreg.scatter [tilespmem:s15], [sflag:$0x7], $0x80, v24, vm0, $0xb8;
	[tilespmem:$0x1E500] =	vst v63  }
0x1e1: {  	_ =	swait.ge [sflag:s28], $0x8000  }
0x1e2: {  	[sflag:s28] =	ssyncset.done $0x0  }
0x1e3: {  	[sflag:s28] =	ssyncadd.s32 $0xFFFF8000  }
0x1e4: {  	v55 =	vld [tilespmem:$0x1E000];
	_ =	sdelay $0x4  }
0x1e5: {  	v56 =	vshll.u32 v55, $0x1  }
0x1e6: {  	v24 =	vand.u32 $0x7, v55;
	v25 =	vand.u32 $0xFFFFFFF0, v56  }
0x1e7: {  	v24 =	vor.u32 v24, v25  }
0x1e8: {  	v25 =	vperm.xlane v24, v16;
	_ =	sdelay $0x1  }
0x1e9: {  	v24 =	vperm.xlane v24, v17;
	v25 =	vadd.s32 v18, v25;
	_ =	sdelay $0x1  }
0x1ea: {  	v24 =	vadd.s32 v18, v24;
	_ =	sdelay $0x2  }
0x1eb: {  	[hbm4b:s2+s6] =	stream.indirect_vreg.scatter [tilespmem:s21], [sflag:$0x8], $0x80, v25, vm0, $0xb8;
	[tilespmem:$0x1E500] =	vst v63  }
0x1ec: {  	_ = 	snop  }
0x1ed: {  	[hbm4b:s2+s6] =	stream.indirect_vreg.scatter [tilespmem:s29], [sflag:$0x8], $0x80, v24, vm0, $0xb8;
	[tilespmem:$0x1E500] =	vst v63  }
0x1ee: {  	v24 =	vld [tilespmem:$0x1E010];
	_ =	sdelay $0x4  }
0x1ef: {  	v57 =	vshll.u32 v24, $0x1  }
0x1f0: {  	v24 =	vand.u32 $0x7, v24;
	v25 =	vand.u32 $0xFFFFFFF0, v57  }
0x1f1: {  	v24 =	vor.u32 v24, v25  }
0x1f2: {  	v25 =	vperm.xlane v24, v16;
	_ =	sdelay $0x1  }
0x1f3: {  	v24 =	vperm.xlane v24, v17;
	v25 =	vadd.s32 v18, v25;
	_ =	sdelay $0x1  }
0x1f4: {  	v24 =	vadd.s32 v18, v24;
	_ =	sdelay $0x2  }
0x1f5: {  	[hbm4b:s2+s6] =	stream.indirect_vreg.scatter [tilespmem:s30], [sflag:$0x8], $0x80, v25, vm0, $0xb8;
	[tilespmem:$0x1E500] =	vst v63  }
0x1f6: {  	_ = 	snop  }
0x1f7: {  	[hbm4b:s2+s6] =	stream.indirect_vreg.scatter [tilespmem:s31], [sflag:$0x8], $0x80, v24, vm0, $0xb8;
	[tilespmem:$0x1E500] =	vst v63  }
0x1f8: {  	v24 =	vld [tilespmem:$0x1E020];
	_ =	sdelay $0x4  }
0x1f9: {  	v58 =	vshll.u32 v24, $0x1  }
0x1fa: {  	v24 =	vand.u32 $0x7, v24;
	v25 =	vand.u32 $0xFFFFFFF0, v58  }
0x1fb: {  	v24 =	vor.u32 v24, v25  }
0x1fc: {  	v25 =	vperm.xlane v24, v16;
	_ =	sdelay $0x1  }
0x1fd: {  	v24 =	vperm.xlane v24, v17;
	v25 =	vadd.s32 v18, v25;
	_ =	sdelay $0x1  }
0x1fe: {  	v24 =	vadd.s32 v18, v24;
	_ =	sdelay $0x2  }
0x1ff: {  	[hbm4b:s2+s6] =	stream.indirect_vreg.scatter [tilespmem:s4], [sflag:$0x8], $0x80, v25, vm0, $0xb8;
	[tilespmem:$0x1E500] =	vst v63  }
0x200: {  	_ = 	snop  }
0x201: {  	[hbm4b:s2+s6] =	stream.indirect_vreg.scatter [tilespmem:s0], [sflag:$0x8], $0x80, v24, vm0, $0xb8;
	[tilespmem:$0x1E500] =	vst v63  }
0x202: {  	v24 =	vld [tilespmem:$0x1E030];
	_ =	sdelay $0x4  }
0x203: {  	v59 =	vshll.u32 v24, $0x1  }
0x204: {  	v24 =	vand.u32 $0x7, v24;
	v25 =	vand.u32 $0xFFFFFFF0, v59  }
0x205: {  	v24 =	vor.u32 v24, v25  }
0x206: {  	v25 =	vperm.xlane v24, v16;
	_ =	sdelay $0x1  }
0x207: {  	v24 =	vperm.xlane v24, v17;
	v25 =	vadd.s32 v18, v25;
	_ =	sdelay $0x1  }
0x208: {  	v24 =	vadd.s32 v18, v24;
	_ =	sdelay $0x1  }
0x209: {  	s16 =	simm.s32 $0x10000  }
0x20a: {  	[hbm4b:s2+s6] =	stream.indirect_vreg.scatter [tilespmem:s16], [sflag:$0x8], $0x80, v25, vm0, $0xb8;
	[tilespmem:$0x1E500] =	vst v63  }
0x20b: {  	s20 =	simm.s32 $0x10800  }
0x20c: {  	[hbm4b:s2+s6] =	stream.indirect_vreg.scatter [tilespmem:s20], [sflag:$0x8], $0x80, v24, vm0, $0xb8;
	[tilespmem:$0x1E500] =	vst v63  }
0x20d: {  	v24 =	vld [tilespmem:$0x1E040];
	_ =	sdelay $0x4  }
0x20e: {  	v60 =	vshll.u32 v24, $0x1  }
0x20f: {  	v24 =	vand.u32 $0x7, v24;
	v25 =	vand.u32 $0xFFFFFFF0, v60  }
0x210: {  	v24 =	vor.u32 v24, v25  }
0x211: {  	v25 =	vperm.xlane v24, v16;
	_ =	sdelay $0x1  }
0x212: {  	v24 =	vperm.xlane v24, v17;
	v25 =	vadd.s32 v18, v25;
	_ =	sdelay $0x1  }
0x213: {  	v24 =	vadd.s32 v18, v24;
	_ =	sdelay $0x1  }
0x214: {  	s23 =	simm.s32 $0x11000  }
0x215: {  	[hbm4b:s2+s6] =	stream.indirect_vreg.scatter [tilespmem:s23], [sflag:$0x8], $0x80, v25, vm0, $0xb8;
	[tilespmem:$0x1E500] =	vst v63  }
0x216: {  	s15 =	simm.s32 $0x11800  }
0x217: {  	[hbm4b:s2+s6] =	stream.indirect_vreg.scatter [tilespmem:s15], [sflag:$0x8], $0x80, v24, vm0, $0xb8;
	[tilespmem:$0x1E500] =	vst v63  }
0x218: {  	v24 =	vld [tilespmem:$0x1E050];
	_ =	sdelay $0x4  }
0x219: {  	v61 =	vshll.u32 v24, $0x1  }
0x21a: {  	v24 =	vand.u32 $0x7, v24;
	v25 =	vand.u32 $0xFFFFFFF0, v61  }
0x21b: {  	v24 =	vor.u32 v24, v25  }
0x21c: {  	v25 =	vperm.xlane v24, v16;
	_ =	sdelay $0x1  }
0x21d: {  	v24 =	vperm.xlane v24, v17;
	v25 =	vadd.s32 v18, v25;
	_ =	sdelay $0x1  }
0x21e: {  	v24 =	vadd.s32 v18, v24;
	_ =	sdelay $0x1  }
0x21f: {  	s16 =	simm.s32 $0x12000  }
0x220: {  	[hbm4b:s2+s6] =	stream.indirect_vreg.scatter [tilespmem:s16], [sflag:$0x8], $0x80, v25, vm0, $0xb8;
	[tilespmem:$0x1E500] =	vst v63  }
0x221: {  	s20 =	simm.s32 $0x12800  }
0x222: {  	[hbm4b:s2+s6] =	stream.indirect_vreg.scatter [tilespmem:s20], [sflag:$0x8], $0x80, v24, vm0, $0xb8;
	[tilespmem:$0x1E500] =	vst v63  }
0x223: {  	v24 =	vld [tilespmem:$0x1E060];
	_ =	sdelay $0x4  }
0x224: {  	v62 =	vshll.u32 v24, $0x1  }
0x225: {  	v24 =	vand.u32 $0x7, v24;
	v25 =	vand.u32 $0xFFFFFFF0, v62  }
0x226: {  	v24 =	vor.u32 v24, v25  }
0x227: {  	v25 =	vperm.xlane v24, v16;
	_ =	sdelay $0x1  }
0x228: {  	v24 =	vperm.xlane v24, v17;
	v25 =	vadd.s32 v18, v25;
	_ =	sdelay $0x1  }
0x229: {  	v24 =	vadd.s32 v18, v24;
	_ =	sdelay $0x1  }
0x22a: {  	s23 =	simm.s32 $0x13000  }
0x22b: {  	[hbm4b:s2+s6] =	stream.indirect_vreg.scatter [tilespmem:s23], [sflag:$0x8], $0x80, v25, vm0, $0xb8;
	[tilespmem:$0x1E500] =	vst v63  }
0x22c: {  	s15 =	simm.s32 $0x13800  }
0x22d: {  	[hbm4b:s2+s6] =	stream.indirect_vreg.scatter [tilespmem:s15], [sflag:$0x8], $0x80, v24, vm0, $0xb8;
	[tilespmem:$0x1E500] =	vst v63  }
0x22e: {  	v24 =	vld [tilespmem:$0x1E070];
	_ =	sdelay $0x4  }
0x22f: {  	v63 =	vshll.u32 v24, $0x1  }
0x230: {  	v24 =	vand.u32 $0x7, v24;
	v25 =	vand.u32 $0xFFFFFFF0, v63  }
0x231: {  	v24 =	vor.u32 v24, v25  }
0x232: {  	v25 =	vperm.xlane v24, v16;
	_ =	sdelay $0x1  }
0x233: {  	v24 =	vperm.xlane v24, v17;
	v25 =	vadd.s32 v18, v25;
	_ =	sdelay $0x1  }
0x234: {  	v24 =	vadd.s32 v18, v24;
	_ =	sdelay $0x1  }
0x235: {  	s16 =	simm.s32 $0x14000  }
0x236: {  	[hbm4b:s2+s6] =	stream.indirect_vreg.scatter [tilespmem:s16], [sflag:$0x8], $0x80, v25, vm0, $0xb8;
	[tilespmem:$0x1E500] =	vst v63  }
0x237: {  	s20 =	simm.s32 $0x14800  }
0x238: {  	[hbm4b:s2+s6] =	stream.indirect_vreg.scatter [tilespmem:s20], [sflag:$0x8], $0x80, v24, vm0, $0xb8;
	[tilespmem:$0x1E500] =	vst v63  }
0x239: {  	_ =	swait.ge [sflag:s10], $0x4000  }
0x23a: {  	[sflag:s10] =	ssyncset.done $0x0  }
0x23b: {  	[sflag:s10] =	ssyncadd.s32 $0xFFFFC000  }
0x23c: {  	_ =	swait.ge [sflag:s11], $0x5000  }
0x23d: {  	[sflag:s11] =	ssyncset.done $0x0  }
0x23e: {  	[sflag:s11] =	ssyncadd.s32 $0xFFFFB000  }
0x23f: {  	_ =	swait.ge [sflag:s18], $0x6000  }
0x240: {  	[sflag:s18] =	ssyncset.done $0x0  }
0x241: {  	[sflag:s18] =	ssyncadd.s32 $0xFFFFA000  }
0x242: {  	_ =	swait.ge [sflag:s8], $0x7000  }
0x243: {  	[sflag:s8] =	ssyncset.done $0x0  }
0x244: {  	[sflag:s8] =	ssyncadd.s32 $0xFFFF9000  }
0x245: {  	_ =	swait.ge [sflag:s9], $0x8000  }
0x246: {  	[sflag:s9] =	ssyncset.done $0x0  }
0x247: {  	[sflag:s9] =	ssyncadd.s32 $0xFFFF8000  }
0x248: {  	_ =	swait.ge [sflag:s12], $0x80  }
0x249: {  	s13 =	sadd.s32 $0x1, s13;
	s23 =	rddreg [dreg:$0x16]  }
0x24a: {  	p1 =	sne.s32 s13, s23  }
.Ltmp3:
0x24b: {  	_ = 	snop;
	(pc) =	sbr.rel @p1 .LBB2_1-.Ltmp3, $3  }
0x24c: {  	_ =	sdelay $0x1  }
0x24d: {  	[sflag:s12] =	ssyncset.done $0x0  }
0x24e: {  	[sflag:s12] =	ssyncadd.s32 $0xFFFFFF80  }
0x24f: {  	_ =	sfence.sel $0x180000  }
0x250: {  	[bflag:$0x0] =	sbarrier.arrive $0xFFFF  }
0x251: {  	_ =	strace $0x90000047  }
0x252: {  	s0 =	stileid.u32;
	[bflag:$0x2] =	sbarrier.arrive $0xFFFF  }
0x253: {  	p0 =	sne.s32 s0, $0x0;
	s0 =	rddreg [dreg:$0xc]  }
0x254: {  	s0 =	sadd.s32 @!p0 $0x100000, s0  }
0x255: {  	[sflag:s0] =	ssyncadd.tile.s32 @!p0 $0x1;
	_ =	shalt  }
.Lfunc_end2:
_tile_overlayer_lowered:
.L_overlay_start_2:
0x256: {  	(tag) =	ssettag $0x2  }
0x257: {  	s0 =	rddreg [dreg:$0x0];
	s2 =	stileid.u32  }
0x258: {  	s1 =	rddreg [dreg:$0x1];
	p0 =	sne.s32 s2, $0x0  }
0x259: {  	s3 =	rddreg [dreg:$0x2];
	[bflag:$0x3] =	sbarrier.arrive $0xFFFF;
	s2 =	simm.s32 @!p0 $0x1C0C  }
0x25a: {  	[timem:s3], [sflag:s2] =	dma.local @!p0 [hbm:s0], s1  }
0x25b: {  	s0 =	simm.s32 @!p0 $0xC  }
0x25c: {  	_ =	swait.ge @!p0 [sflag:s0], s1  }
0x25d: {  	s1 =	ssub.s32 @!p0 $0x0, s1;
	[sflag:s0] =	ssyncset.done @!p0 $0x0  }
0x25e: {  	[sflag:s0] =	ssyncadd.s32 @!p0 s1  }
0x25f: {  	[bflag:$0x3] =	sbarrier.arrive $0xFFFF  }
0x260: {  	_ =	shalt  }

</sc_bundles>
